<compile_context>
chip_gen: v7x
topology: tpu7x:2x2x1
jax: 0.10.2.dev20260603
libtpu: 0.0.44.dev20260713+nightly
codegen_flags: <defaults>
</compile_context>

<pallas_src>
import functools

import jax
import jax.numpy as jnp
from jax import lax
from jax.experimental import pallas as pl
from jax.experimental.pallas import tpu as pltpu
from jax.experimental.pallas import tpu_sc as plsc

_B_BLK = 8
_NC, _NS = 2, 16
_NW = _NC * _NS


def _code_body(x_ref, cb_ref, code_ref):
    S = x_ref.shape[2]
    kiota = jax.lax.broadcasted_iota(jnp.int32, (32, S), 0)

    c0 = cb_ref[0]
    c1 = cb_ref[1]
    z = jnp.zeros((32, 32), jnp.float32)
    cblk = jnp.concatenate(
        [jnp.concatenate([c0, z], axis=1),
         jnp.concatenate([z, c1], axis=1)], axis=0)
    cnorm = jnp.sum(cblk * cblk, axis=1, keepdims=True)
    cs = -2.0 * cblk

    for b in range(_B_BLK):
        x = x_ref[b]
        dotT = jax.lax.dot_general(
            cs, x, (((1,), (0,)), ((), ())),
            precision=jax.lax.Precision.HIGHEST,
            preferred_element_type=jnp.float32)
        score = cnorm + dotT

        inds = []
        for h in range(2):
            s = score[h * 32:(h + 1) * 32]
            mins = jnp.min(s, axis=0, keepdims=True)
            ind = jnp.min(jnp.where(s <= mins, kiota, 32), axis=0)
            inds.append(ind)
        code_ref[b, :] = inds[0] + 32 * inds[1]


def _blend_body(x_hbm, code_hbm, tbl_hbm, al_hbm, out_hbm,
                xbuf, codebuf, indbuf, tblbuf, albuf, insems, outsems):
    wid = lax.axis_index("s") * _NC + lax.axis_index("c")
    pltpu.sync_copy(tbl_hbm, tblbuf)
    pltpu.sync_copy(al_hbm, albuf)
    al = albuf[...]
    be = 1.0 - al

    nslab = 4

    def slab_src(t):
        slab = wid * nslab + t
        b = slab // 2
        half = slab % 2
        return b, half

    def start_in(t):
        b, half = slab_src(t)
        return pltpu.async_copy(
            x_hbm.at[b, pl.ds(half * 32, 32)], xbuf.at[t % 2],
            insems.at[t % 2])

    in_h = {0: start_in(0)}
    out_h = {}
    for t in range(nslab):
        b, half = slab_src(t)
        if t + 1 < nslab:
            if t >= 1:
                out_h[t - 1].wait()
            in_h[t + 1] = start_in(t + 1)

        pltpu.sync_copy(code_hbm.at[b], codebuf)
        sh = 5 * half
        tbase = half * 1024

        @plsc.parallel_loop(0, 64, unroll=8)
        def _prep(i, sh=sh):
            c16 = codebuf[pl.ds(i * 16, 16)]
            indbuf[pl.ds(i * 16, 16)] = lax.shift_right_logical(c16, sh) & 31

        in_h[t].wait()
        buf = t % 2

        def _row(d, _, tbase=tbase, buf=buf):
            base = tbase + d * 32

            @plsc.parallel_loop(0, 64, unroll=8)
            def _chunk(i, base=base, d=d, buf=buf):
                o = i * 16
                ind = indbuf[pl.ds(o, 16)]
                cvals = plsc.load_gather(tblbuf, [ind + base])
                xv = xbuf[buf, d, pl.ds(o, 16)]
                xbuf[buf, d, pl.ds(o, 16)] = al * xv + be * cvals
            return 0
        lax.fori_loop(0, 32, _row, 0)

        out_h[t] = pltpu.async_copy(
            xbuf.at[buf], out_hbm.at[b, pl.ds(half * 32, 32)],
            outsems.at[buf])

    out_h[nslab - 2].wait()
    out_h[nslab - 1].wait()


@functools.partial(jax.jit, static_argnames=())
def kernel(input, kernel, alpha):
    B, S, D = input.shape
    xt = jnp.transpose(input, (0, 2, 1))
    alpha_f = jnp.asarray(alpha, jnp.float32)

    code = pl.pallas_call(
        _code_body,
        grid=(B // _B_BLK,),
        in_specs=[
            pl.BlockSpec((_B_BLK, D, S), lambda i: (i, 0, 0)),
            pl.BlockSpec((2, 32, 32), lambda i: (0, 0, 0)),
        ],
        out_specs=pl.BlockSpec((_B_BLK, S), lambda i: (i, 0)),
        out_shape=jax.ShapeDtypeStruct((B, S), jnp.int32),
    )(xt, kernel)

    tbl = jnp.transpose(kernel, (0, 2, 1)).reshape(-1)
    alvec = jnp.full((16,), alpha_f, jnp.float32)

    blend = functools.partial(
        pl.kernel,
        mesh=plsc.VectorSubcoreMesh(core_axis_name="c", subcore_axis_name="s"),
        compiler_params=pltpu.CompilerParams(needs_layout_passes=False),
        out_type=jax.ShapeDtypeStruct((B, D, S), jnp.float32),
        scratch_types=[
            pltpu.VMEM((2, 32, S), jnp.float32),
            pltpu.VMEM((S,), jnp.int32),
            pltpu.VMEM((S,), jnp.int32),
            pltpu.VMEM((2048,), jnp.float32),
            pltpu.VMEM((16,), jnp.float32),
            pltpu.SemaphoreType.DMA((2,)),
            pltpu.SemaphoreType.DMA((2,)),
        ],
    )(_blend_body)
    out_t = blend(xt, code, tbl, alvec)
    return jnp.transpose(out_t, (0, 2, 1)), code

# --- scband reference (transcript-rebuilt; emitter-appended) ---
"""Pipeline reference for scband-rvq-56538949484662 (READ-ONLY COPY).

The authoritative reference and input builder live on the scoring server;
editing this copy changes nothing except your own understanding.
"""

import jax, jax.numpy as jnp
import numpy as np

def setup_inputs(seed: int = 0) -> dict:
    key = jax.random.key(seed)
    k1, k2, k3 = jax.random.split(key, 3)
    x = jax.random.normal(k1, (64, 1024, 64), dtype=jnp.float32)
    # learned params per init_kwargs: kernel [h, k_, d//h] = [2, 32, 32], alpha scalar
    kernel = jax.random.normal(k2, (2, 32, 32), dtype=jnp.float32)
    alpha = jax.random.uniform(k3, (), dtype=jnp.float32)
    return {"input": x, "kernel": kernel, "alpha": alpha}

def reference(input, kernel, alpha):
    # Multi-head (product) residual VQ: split d into h sub-vectors, quantize each
    # against its per-head codebook of size k_, straight blend with alpha, and
    # combine per-head indices into a single composite code via base-k_ digits.
    h, k_, dh = kernel.shape
    xs = input.reshape(input.shape[:-1] + (h, dh))            # [..., h, d//h]
    d = jnp.linalg.norm(xs[..., :, None, :] - kernel, axis=-1)  # [..., h, k_]
    ind = jnp.argmin(d, axis=-1)                               # [..., h]
    v = kernel[jnp.arange(h), ind]                             # gather: [..., h, d//h]
    v = v.reshape(input.shape)                                 # [..., d]
    out = alpha * input + (1.0 - alpha) * v
    base = (k_ ** jnp.arange(h)).astype(ind.dtype)
    code = jnp.sum(ind * base, axis=-1)                        # [...]
    return (out, code)

if __name__ == "__main__":
    import jax
    _d = setup_inputs()
    print(jax.jit(kernel)(*tuple(_d.values())))

</pallas_src>

<mosaic_0001>
#map = affine_map<(d0, d1) -> (0, 0, 0)>
#map1 = affine_map<(d0, d1) -> (0, 0)>
#map2 = affine_map<(d0, d1) -> (0)>
module attributes {stable_mosaic.version = 14 : i64} {
  func.func @_blend_body(%arg0: i32, %arg1: i32, %arg2: memref<64x64x1024xf32, #tpu.memory_space<hbm>>, %arg3: memref<64x1024xi32, #tpu.memory_space<hbm>>, %arg4: memref<2048xf32, #tpu.memory_space<hbm>>, %arg5: memref<16xf32, #tpu.memory_space<hbm>>, %arg6: memref<64x64x1024xf32, #tpu.memory_space<hbm>>, %arg7: memref<2x32x1024xf32, #tpu.memory_space<vmem>>, %arg8: memref<1024xi32, #tpu.memory_space<vmem>>, %arg9: memref<1024xi32, #tpu.memory_space<vmem>>, %arg10: memref<2048xf32, #tpu.memory_space<vmem>>, %arg11: memref<16xf32, #tpu.memory_space<vmem>>, %arg12: memref<2x!tpu.dma_semaphore, #tpu.memory_space<semaphore_mem>>, %arg13: memref<2x!tpu.dma_semaphore, #tpu.memory_space<semaphore_mem>>) attributes {dimension_semantics = [#tpu.dimension_semantics<core_parallel>, #tpu.dimension_semantics<subcore_parallel>], iteration_bounds = array<i64: 2, 16>, scalar_prefetch = 0 : i64, scratch_operands = 7 : i64, tpu.core_type = #tpu.core_type<sc_vector_subcore>, window_params = [{transform_indices = #map}, {transform_indices = #map1}, {transform_indices = #map2}, {transform_indices = #map2}, {transform_indices = #map}]} {
    %mul3A = arith.constant 2 : i32
    %mul3A_0 = arith.muli %arg1, %mul3A : i32
    %add3A = arith.addi %mul3A_0, %arg0 : i32
    "tpu.region"() ({
      %run_scoped3A = tpu.sem_alloc : memref<!tpu.dma_semaphore, #tpu.memory_space<semaphore_mem>>
      tpu.enqueue_dma source(%arg4 : memref<2048xf32, #tpu.memory_space<hbm>>) target(%arg10 : memref<2048xf32, #tpu.memory_space<vmem>>) target_semaphore(%run_scoped3A : memref<!tpu.dma_semaphore, #tpu.memory_space<semaphore_mem>>)
      tpu.wait_dma2 semaphore(%run_scoped3A : memref<!tpu.dma_semaphore, #tpu.memory_space<semaphore_mem>>) src(%arg4 : memref<2048xf32, #tpu.memory_space<hbm>>) dst(%arg10 : memref<2048xf32, #tpu.memory_space<vmem>>)
      tpu.yield
    }) : () -> ()
    "tpu.region"() ({
      %run_scoped3A = tpu.sem_alloc : memref<!tpu.dma_semaphore, #tpu.memory_space<semaphore_mem>>
      tpu.enqueue_dma source(%arg5 : memref<16xf32, #tpu.memory_space<hbm>>) target(%arg11 : memref<16xf32, #tpu.memory_space<vmem>>) target_semaphore(%run_scoped3A : memref<!tpu.dma_semaphore, #tpu.memory_space<semaphore_mem>>)
      tpu.wait_dma2 semaphore(%run_scoped3A : memref<!tpu.dma_semaphore, #tpu.memory_space<semaphore_mem>>) src(%arg5 : memref<16xf32, #tpu.memory_space<hbm>>) dst(%arg11 : memref<16xf32, #tpu.memory_space<vmem>>)
      tpu.yield
    }) : () -> ()
    %get3A = arith.constant 0 : index
    %get3A_1 = tpu.vector_load %arg11[%get3A] {strides = array<i32>} : memref<16xf32, #tpu.memory_space<vmem>>, vector<16xf32>,
    %sub3A = arith.constant 1.000000e+00 : f32
    %sub3A_2 = vector.broadcast %sub3A : f32 to vector<16xf32>
    %sub3A_3 = arith.subf %sub3A_2, %get3A_1 : vector<16xf32>
    %mul3A_4 = arith.constant 4 : i32
    %mul3A_5 = arith.muli %add3A, %mul3A_4 : i32
    %add3A_6 = arith.constant 0 : i32
    %add3A_7 = arith.addi %mul3A_5, %add3A_6 : i32
    %jit3A = arith.constant 2 : i32
    %div3A = arith.divsi %add3A_7, %jit3A : i32
    %sign3A = arith.constant 0 : i32
    %sign3A_8 = arith.cmpi sgt, %add3A_7, %sign3A : i32
    %sign3A_9 = arith.extui %sign3A_8 : i1 to i32
    %sign3A_10 = arith.constant 0 : i32
    %sign3A_11 = arith.cmpi slt, %add3A_7, %sign3A_10 : i32
    %sign3A_12 = arith.extui %sign3A_11 : i1 to i32
    %sign3A_13 = arith.subi %sign3A_9, %sign3A_12 : i32
    %sign3A_14 = arith.constant 0 : i32
    %sign3A_15 = arith.cmpi sgt, %jit3A, %sign3A_14 : i32
    %sign3A_16 = arith.extui %sign3A_15 : i1 to i32
    %sign3A_17 = arith.constant 0 : i32
    %sign3A_18 = arith.cmpi slt, %jit3A, %sign3A_17 : i32
    %sign3A_19 = arith.extui %sign3A_18 : i1 to i32
    %sign3A_20 = arith.subi %sign3A_16, %sign3A_19 : i32
    %ne3A = arith.cmpi ne, %sign3A_13, %sign3A_20 : i32
    %rem3A = arith.remsi %add3A_7, %jit3A : i32
    %ne3A_21 = arith.constant 0 : i32
    %ne3A_22 = arith.cmpi ne, %rem3A, %ne3A_21 : i32
    %and3A = arith.andi %ne3A, %ne3A_22 : i1
    %sub3A_23 = arith.constant 1 : i32
    %sub3A_24 = arith.subi %div3A, %sub3A_23 : i32
    %select_n3A = arith.select %and3A, %sub3A_24, %div3A : i32
    %jit3A_25 = arith.constant 2 : i32
    %eq3A = arith.constant 0 : i32
    %eq3A_26 = arith.cmpi eq, %jit3A_25, %eq3A : i32
    %jit3A_27 = arith.constant 1 : i32
    %select_n3A_28 = arith.select %eq3A_26, %jit3A_27, %jit3A_25 : i32
    %rem3A_29 = arith.remsi %add3A_7, %select_n3A_28 : i32
    %ne3A_30 = arith.constant 0 : i32
    %ne3A_31 = arith.cmpi ne, %rem3A_29, %ne3A_30 : i32
    %lt3A = arith.constant 0 : i32
    %lt3A_32 = arith.cmpi slt, %rem3A_29, %lt3A : i32
    %lt3A_33 = arith.constant 0 : i32
    %lt3A_34 = arith.cmpi slt, %select_n3A_28, %lt3A_33 : i32
    %ne3A_35 = arith.xori %lt3A_32, %lt3A_34 : i1
    %and3A_36 = arith.andi %ne3A_35, %ne3A_31 : i1
    %add3A_37 = arith.addi %rem3A_29, %select_n3A_28 : i32
    %select_n3A_38 = arith.select %and3A_36, %add3A_37, %rem3A_29 : i32
    %mul3A_39 = arith.constant 32 : i32
    %mul3A_40 = arith.muli %select_n3A_38, %mul3A_39 : i32
    %dma_start3A = arith.constant 0 : i32
    %dma_start3A_41 = arith.constant 0 : i32
    %dma_start3A_42 = arith.constant 0 : i32
    %dma_start3A_43 = arith.constant 0 : i32
    %dma_start3A_44 = tpu.memref_slice %arg7[%dma_start3A, %dma_start3A_42, %dma_start3A_43] : memref<2x32x1024xf32, #tpu.memory_space<vmem>> -> memref<1x32x1024xf32, #tpu.memory_space<vmem>>
    %dma_start3A_45 = tpu.memref_squeeze %dma_start3A_44 : memref<1x32x1024xf32, #tpu.memory_space<vmem>> -> memref<32x1024xf32, #tpu.memory_space<vmem>>
    %dma_start3A_46 = arith.constant 0 : i32
    %dma_start3A_47 = tpu.memref_slice %arg2[%select_n3A, %mul3A_40, %dma_start3A_46] : memref<64x64x1024xf32, #tpu.memory_space<hbm>> -> memref<1x32x1024xf32, #tpu.memory_space<hbm>>
    %dma_start3A_48 = tpu.memref_squeeze %dma_start3A_47 : memref<1x32x1024xf32, #tpu.memory_space<hbm>> -> memref<32x1024xf32, #tpu.memory_space<hbm>>
    %dma_start3A_49 = tpu.memref_slice %arg12[%dma_start3A_41] : memref<2x!tpu.dma_semaphore, #tpu.memory_space<semaphore_mem>> -> memref<1x!tpu.dma_semaphore, #tpu.memory_space<semaphore_mem>>
    %dma_start3A_50 = tpu.memref_squeeze %dma_start3A_49 : memref<1x!tpu.dma_semaphore, #tpu.memory_space<semaphore_mem>> -> memref<!tpu.dma_semaphore, #tpu.memory_space<semaphore_mem>>
    %dma_start3A_51 = arith.constant 0 : i32
    %dma_start3A_52 = arith.constant 0 : i32
    %dma_start3A_53 = tpu.memref_slice %arg7[%dma_start3A, %dma_start3A_51, %dma_start3A_52] : memref<2x32x1024xf32, #tpu.memory_space<vmem>> -> memref<1x32x1024xf32, #tpu.memory_space<vmem>>
    %dma_start3A_54 = tpu.memref_squeeze %dma_start3A_53 : memref<1x32x1024xf32, #tpu.memory_space<vmem>> -> memref<32x1024xf32, #tpu.memory_space<vmem>>
    %dma_start3A_55 = arith.constant 0 : i32
    %dma_start3A_56 = tpu.memref_slice %arg2[%select_n3A, %mul3A_40, %dma_start3A_55] : memref<64x64x1024xf32, #tpu.memory_space<hbm>> -> memref<1x32x1024xf32, #tpu.memory_space<hbm>>
    %dma_start3A_57 = tpu.memref_squeeze %dma_start3A_56 : memref<1x32x1024xf32, #tpu.memory_space<hbm>> -> memref<32x1024xf32, #tpu.memory_space<hbm>>
    tpu.enqueue_dma source(%dma_start3A_57 : memref<32x1024xf32, #tpu.memory_space<hbm>>) target(%dma_start3A_54 : memref<32x1024xf32, #tpu.memory_space<vmem>>) target_semaphore(%dma_start3A_50 : memref<!tpu.dma_semaphore, #tpu.memory_space<semaphore_mem>>)
    %mul3A_58 = arith.constant 4 : i32
    %mul3A_59 = arith.muli %add3A, %mul3A_58 : i32
    %add3A_60 = arith.constant 0 : i32
    %add3A_61 = arith.addi %mul3A_59, %add3A_60 : i32
    %jit3A_62 = arith.constant 2 : i32
    %div3A_63 = arith.divsi %add3A_61, %jit3A_62 : i32
    %sign3A_64 = arith.constant 0 : i32
    %sign3A_65 = arith.cmpi sgt, %add3A_61, %sign3A_64 : i32
    %sign3A_66 = arith.extui %sign3A_65 : i1 to i32
    %sign3A_67 = arith.constant 0 : i32
    %sign3A_68 = arith.cmpi slt, %add3A_61, %sign3A_67 : i32
    %sign3A_69 = arith.extui %sign3A_68 : i1 to i32
    %sign3A_70 = arith.subi %sign3A_66, %sign3A_69 : i32
    %sign3A_71 = arith.constant 0 : i32
    %sign3A_72 = arith.cmpi sgt, %jit3A_62, %sign3A_71 : i32
    %sign3A_73 = arith.extui %sign3A_72 : i1 to i32
    %sign3A_74 = arith.constant 0 : i32
    %sign3A_75 = arith.cmpi slt, %jit3A_62, %sign3A_74 : i32
    %sign3A_76 = arith.extui %sign3A_75 : i1 to i32
    %sign3A_77 = arith.subi %sign3A_73, %sign3A_76 : i32
    %ne3A_78 = arith.cmpi ne, %sign3A_70, %sign3A_77 : i32
    %rem3A_79 = arith.remsi %add3A_61, %jit3A_62 : i32
    %ne3A_80 = arith.constant 0 : i32
    %ne3A_81 = arith.cmpi ne, %rem3A_79, %ne3A_80 : i32
    %and3A_82 = arith.andi %ne3A_78, %ne3A_81 : i1
    %sub3A_83 = arith.constant 1 : i32
    %sub3A_84 = arith.subi %div3A_63, %sub3A_83 : i32
    %select_n3A_85 = arith.select %and3A_82, %sub3A_84, %div3A_63 : i32
    %jit3A_86 = arith.constant 2 : i32
    %eq3A_87 = arith.constant 0 : i32
    %eq3A_88 = arith.cmpi eq, %jit3A_86, %eq3A_87 : i32
    %jit3A_89 = arith.constant 1 : i32
    %select_n3A_90 = arith.select %eq3A_88, %jit3A_89, %jit3A_86 : i32
    %rem3A_91 = arith.remsi %add3A_61, %select_n3A_90 : i32
    %ne3A_92 = arith.constant 0 : i32
    %ne3A_93 = arith.cmpi ne, %rem3A_91, %ne3A_92 : i32
    %lt3A_94 = arith.constant 0 : i32
    %lt3A_95 = arith.cmpi slt, %rem3A_91, %lt3A_94 : i32
    %lt3A_96 = arith.constant 0 : i32
    %lt3A_97 = arith.cmpi slt, %select_n3A_90, %lt3A_96 : i32
    %ne3A_98 = arith.xori %lt3A_95, %lt3A_97 : i1
    %and3A_99 = arith.andi %ne3A_98, %ne3A_93 : i1
    %add3A_100 = arith.addi %rem3A_91, %select_n3A_90 : i32
    %select_n3A_101 = arith.select %and3A_99, %add3A_100, %rem3A_91 : i32
    %mul3A_102 = arith.constant 4 : i32
    %mul3A_103 = arith.muli %add3A, %mul3A_102 : i32
    %add3A_104 = arith.constant 1 : i32
    %add3A_105 = arith.addi %mul3A_103, %add3A_104 : i32
    %jit3A_106 = arith.constant 2 : i32
    %div3A_107 = arith.divsi %add3A_105, %jit3A_106 : i32
    %sign3A_108 = arith.constant 0 : i32
    %sign3A_109 = arith.cmpi sgt, %add3A_105, %sign3A_108 : i32
    %sign3A_110 = arith.extui %sign3A_109 : i1 to i32
    %sign3A_111 = arith.constant 0 : i32
    %sign3A_112 = arith.cmpi slt, %add3A_105, %sign3A_111 : i32
    %sign3A_113 = arith.extui %sign3A_112 : i1 to i32
    %sign3A_114 = arith.subi %sign3A_110, %sign3A_113 : i32
    %sign3A_115 = arith.constant 0 : i32
    %sign3A_116 = arith.cmpi sgt, %jit3A_106, %sign3A_115 : i32
    %sign3A_117 = arith.extui %sign3A_116 : i1 to i32
    %sign3A_118 = arith.constant 0 : i32
    %sign3A_119 = arith.cmpi slt, %jit3A_106, %sign3A_118 : i32
    %sign3A_120 = arith.extui %sign3A_119 : i1 to i32
    %sign3A_121 = arith.subi %sign3A_117, %sign3A_120 : i32
    %ne3A_122 = arith.cmpi ne, %sign3A_114, %sign3A_121 : i32
    %rem3A_123 = arith.remsi %add3A_105, %jit3A_106 : i32
    %ne3A_124 = arith.constant 0 : i32
    %ne3A_125 = arith.cmpi ne, %rem3A_123, %ne3A_124 : i32
    %and3A_126 = arith.andi %ne3A_122, %ne3A_125 : i1
    %sub3A_127 = arith.constant 1 : i32
    %sub3A_128 = arith.subi %div3A_107, %sub3A_127 : i32
    %select_n3A_129 = arith.select %and3A_126, %sub3A_128, %div3A_107 : i32
    %jit3A_130 = arith.constant 2 : i32
    %eq3A_131 = arith.constant 0 : i32
    %eq3A_132 = arith.cmpi eq, %jit3A_130, %eq3A_131 : i32
    %jit3A_133 = arith.constant 1 : i32
    %select_n3A_134 = arith.select %eq3A_132, %jit3A_133, %jit3A_130 : i32
    %rem3A_135 = arith.remsi %add3A_105, %select_n3A_134 : i32
    %ne3A_136 = arith.constant 0 : i32
    %ne3A_137 = arith.cmpi ne, %rem3A_135, %ne3A_136 : i32
    %lt3A_138 = arith.constant 0 : i32
    %lt3A_139 = arith.cmpi slt, %rem3A_135, %lt3A_138 : i32
    %lt3A_140 = arith.constant 0 : i32
    %lt3A_141 = arith.cmpi slt, %select_n3A_134, %lt3A_140 : i32
    %ne3A_142 = arith.xori %lt3A_139, %lt3A_141 : i1
    %and3A_143 = arith.andi %ne3A_142, %ne3A_137 : i1
    %add3A_144 = arith.addi %rem3A_135, %select_n3A_134 : i32
    %select_n3A_145 = arith.select %and3A_143, %add3A_144, %rem3A_135 : i32
    %mul3A_146 = arith.constant 32 : i32
    %mul3A_147 = arith.muli %select_n3A_145, %mul3A_146 : i32
    %dma_start3A_148 = arith.constant 1 : i32
    %dma_start3A_149 = arith.constant 1 : i32
    %dma_start3A_150 = arith.constant 0 : i32
    %dma_start3A_151 = arith.constant 0 : i32
    %dma_start3A_152 = tpu.memref_slice %arg7[%dma_start3A_148, %dma_start3A_150, %dma_start3A_151] : memref<2x32x1024xf32, #tpu.memory_space<vmem>> -> memref<1x32x1024xf32, #tpu.memory_space<vmem>>
    %dma_start3A_153 = tpu.memref_squeeze %dma_start3A_152 : memref<1x32x1024xf32, #tpu.memory_space<vmem>> -> memref<32x1024xf32, #tpu.memory_space<vmem>>
    %dma_start3A_154 = arith.constant 0 : i32
    %dma_start3A_155 = tpu.memref_slice %arg2[%select_n3A_129, %mul3A_147, %dma_start3A_154] : memref<64x64x1024xf32, #tpu.memory_space<hbm>> -> memref<1x32x1024xf32, #tpu.memory_space<hbm>>
    %dma_start3A_156 = tpu.memref_squeeze %dma_start3A_155 : memref<1x32x1024xf32, #tpu.memory_space<hbm>> -> memref<32x1024xf32, #tpu.memory_space<hbm>>
    %dma_start3A_157 = tpu.memref_slice %arg12[%dma_start3A_149] : memref<2x!tpu.dma_semaphore, #tpu.memory_space<semaphore_mem>> -> memref<1x!tpu.dma_semaphore, #tpu.memory_space<semaphore_mem>>
    %dma_start3A_158 = tpu.memref_squeeze %dma_start3A_157 : memref<1x!tpu.dma_semaphore, #tpu.memory_space<semaphore_mem>> -> memref<!tpu.dma_semaphore, #tpu.memory_space<semaphore_mem>>
    %dma_start3A_159 = arith.constant 0 : i32
    %dma_start3A_160 = arith.constant 0 : i32
    %dma_start3A_161 = tpu.memref_slice %arg7[%dma_start3A_148, %dma_start3A_159, %dma_start3A_160] : memref<2x32x1024xf32, #tpu.memory_space<vmem>> -> memref<1x32x1024xf32, #tpu.memory_space<vmem>>
    %dma_start3A_162 = tpu.memref_squeeze %dma_start3A_161 : memref<1x32x1024xf32, #tpu.memory_space<vmem>> -> memref<32x1024xf32, #tpu.memory_space<vmem>>
    %dma_start3A_163 = arith.constant 0 : i32
    %dma_start3A_164 = tpu.memref_slice %arg2[%select_n3A_129, %mul3A_147, %dma_start3A_163] : memref<64x64x1024xf32, #tpu.memory_space<hbm>> -> memref<1x32x1024xf32, #tpu.memory_space<hbm>>
    %dma_start3A_165 = tpu.memref_squeeze %dma_start3A_164 : memref<1x32x1024xf32, #tpu.memory_space<hbm>> -> memref<32x1024xf32, #tpu.memory_space<hbm>>
    tpu.enqueue_dma source(%dma_start3A_165 : memref<32x1024xf32, #tpu.memory_space<hbm>>) target(%dma_start3A_162 : memref<32x1024xf32, #tpu.memory_space<vmem>>) target_semaphore(%dma_start3A_158 : memref<!tpu.dma_semaphore, #tpu.memory_space<semaphore_mem>>)
    "tpu.region"() ({
      %run_scoped3A = tpu.sem_alloc : memref<!tpu.dma_semaphore, #tpu.memory_space<semaphore_mem>>
      %dma_start3A_703 = arith.constant 0 : i32
      %dma_start3A_704 = tpu.memref_slice %arg3[%select_n3A_85, %dma_start3A_703] : memref<64x1024xi32, #tpu.memory_space<hbm>> -> memref<1x1024xi32, #tpu.memory_space<hbm>>
      %dma_start3A_705 = tpu.memref_squeeze %dma_start3A_704 : memref<1x1024xi32, #tpu.memory_space<hbm>> -> memref<1024xi32, #tpu.memory_space<hbm>>
      %dma_start3A_706 = arith.constant 0 : i32
      %dma_start3A_707 = tpu.memref_slice %arg3[%select_n3A_85, %dma_start3A_706] : memref<64x1024xi32, #tpu.memory_space<hbm>> -> memref<1x1024xi32, #tpu.memory_space<hbm>>
      %dma_start3A_708 = tpu.memref_squeeze %dma_start3A_707 : memref<1x1024xi32, #tpu.memory_space<hbm>> -> memref<1024xi32, #tpu.memory_space<hbm>>
      tpu.enqueue_dma source(%dma_start3A_708 : memref<1024xi32, #tpu.memory_space<hbm>>) target(%arg8 : memref<1024xi32, #tpu.memory_space<vmem>>) target_semaphore(%run_scoped3A : memref<!tpu.dma_semaphore, #tpu.memory_space<semaphore_mem>>)
      %dma_wait3A_709 = arith.constant 0 : i32
      %dma_wait3A_710 = tpu.memref_slice %arg3[%select_n3A_85, %dma_wait3A_709] : memref<64x1024xi32, #tpu.memory_space<hbm>> -> memref<1x1024xi32, #tpu.memory_space<hbm>>
      %dma_wait3A_711 = tpu.memref_squeeze %dma_wait3A_710 : memref<1x1024xi32, #tpu.memory_space<hbm>> -> memref<1024xi32, #tpu.memory_space<hbm>>
      %dma_wait3A_712 = arith.constant 0 : i32
      %dma_wait3A_713 = tpu.memref_slice %arg3[%select_n3A_85, %dma_wait3A_712] : memref<64x1024xi32, #tpu.memory_space<hbm>> -> memref<1x1024xi32, #tpu.memory_space<hbm>>
      %dma_wait3A_714 = tpu.memref_squeeze %dma_wait3A_713 : memref<1x1024xi32, #tpu.memory_space<hbm>> -> memref<1024xi32, #tpu.memory_space<hbm>>
      tpu.wait_dma2 semaphore(%run_scoped3A : memref<!tpu.dma_semaphore, #tpu.memory_space<semaphore_mem>>) src(%dma_wait3A_714 : memref<1024xi32, #tpu.memory_space<hbm>>) dst(%arg8 : memref<1024xi32, #tpu.memory_space<vmem>>)
      tpu.yield
    }) : () -> ()
    %mul3A_166 = arith.constant 5 : i32
    %mul3A_167 = arith.muli %mul3A_166, %select_n3A_101 : i32
    %mul3A_168 = arith.constant 1024 : i32
    %mul3A_169 = arith.muli %select_n3A_101, %mul3A_168 : i32
    %parallel_loop3A = arith.constant 0 : i32
    %parallel_loop3A_170 = arith.constant 64 : i32
    %parallel_loop3A_171 = arith.constant 1 : i32
    scf.for %parallel_loop3A_703 = %parallel_loop3A to %parallel_loop3A_170 step %parallel_loop3A_171  : i32 {
      %parallel_loop3A_704 = arith.constant 16 : i32
      %parallel_loop3A_705 = arith.muli %parallel_loop3A_703, %parallel_loop3A_704 : i32
      %parallel_loop3A_706 = arith.index_cast %parallel_loop3A_705 : i32 to index
      %parallel_loop3A_707 = tpu.vector_load %arg8[%parallel_loop3A_706] {strides = array<i32>} : memref<1024xi32, #tpu.memory_space<vmem>>, vector<16xi32>,
      %parallel_loop3A_708 = vector.broadcast %mul3A_167 : i32 to vector<16xi32>
      %parallel_loop3A_709 = arith.shrui %parallel_loop3A_707, %parallel_loop3A_708 : vector<16xi32>
      %parallel_loop3A_710 = arith.constant 31 : i32
      %parallel_loop3A_711 = vector.broadcast %parallel_loop3A_710 : i32 to vector<16xi32>
      %parallel_loop3A_712 = arith.andi %parallel_loop3A_709, %parallel_loop3A_711 : vector<16xi32>
      %parallel_loop3A_713 = arith.constant 16 : i32
      %parallel_loop3A_714 = arith.muli %parallel_loop3A_703, %parallel_loop3A_713 : i32
      %parallel_loop3A_715 = arith.index_cast %parallel_loop3A_714 : i32 to index
      %parallel_loop3A_716 = tpu.vector_load %arg9[%parallel_loop3A_715] {strides = array<i32>} : memref<1024xi32, #tpu.memory_space<vmem>>, vector<16xi32>,
      tpu.vector_store %arg9[%parallel_loop3A_715], %parallel_loop3A_712 {strides = array<i32>} : memref<1024xi32, #tpu.memory_space<vmem>>, vector<16xi32>,
    } {sc.loop_unroll_factor = 8 : i64, sc.parallel_access}
    %dma_wait3A = arith.constant 0 : i32
    %dma_wait3A_172 = arith.constant 0 : i32
    %dma_wait3A_173 = arith.constant 0 : i32
    %dma_wait3A_174 = arith.constant 0 : i32
    %dma_wait3A_175 = tpu.memref_slice %arg7[%dma_wait3A, %dma_wait3A_173, %dma_wait3A_174] : memref<2x32x1024xf32, #tpu.memory_space<vmem>> -> memref<1x32x1024xf32, #tpu.memory_space<vmem>>
    %dma_wait3A_176 = tpu.memref_squeeze %dma_wait3A_175 : memref<1x32x1024xf32, #tpu.memory_space<vmem>> -> memref<32x1024xf32, #tpu.memory_space<vmem>>
    %dma_wait3A_177 = arith.constant 0 : i32
    %dma_wait3A_178 = tpu.memref_slice %arg2[%select_n3A, %mul3A_40, %dma_wait3A_177] : memref<64x64x1024xf32, #tpu.memory_space<hbm>> -> memref<1x32x1024xf32, #tpu.memory_space<hbm>>
    %dma_wait3A_179 = tpu.memref_squeeze %dma_wait3A_178 : memref<1x32x1024xf32, #tpu.memory_space<hbm>> -> memref<32x1024xf32, #tpu.memory_space<hbm>>
    %dma_wait3A_180 = tpu.memref_slice %arg12[%dma_wait3A_172] : memref<2x!tpu.dma_semaphore, #tpu.memory_space<semaphore_mem>> -> memref<1x!tpu.dma_semaphore, #tpu.memory_space<semaphore_mem>>
    %dma_wait3A_181 = tpu.memref_squeeze %dma_wait3A_180 : memref<1x!tpu.dma_semaphore, #tpu.memory_space<semaphore_mem>> -> memref<!tpu.dma_semaphore, #tpu.memory_space<semaphore_mem>>
    %dma_wait3A_182 = arith.constant 0 : i32
    %dma_wait3A_183 = arith.constant 0 : i32
    %dma_wait3A_184 = tpu.memref_slice %arg7[%dma_wait3A, %dma_wait3A_182, %dma_wait3A_183] : memref<2x32x1024xf32, #tpu.memory_space<vmem>> -> memref<1x32x1024xf32, #tpu.memory_space<vmem>>
    %dma_wait3A_185 = tpu.memref_squeeze %dma_wait3A_184 : memref<1x32x1024xf32, #tpu.memory_space<vmem>> -> memref<32x1024xf32, #tpu.memory_space<vmem>>
    %dma_wait3A_186 = arith.constant 0 : i32
    %dma_wait3A_187 = tpu.memref_slice %arg2[%select_n3A, %mul3A_40, %dma_wait3A_186] : memref<64x64x1024xf32, #tpu.memory_space<hbm>> -> memref<1x32x1024xf32, #tpu.memory_space<hbm>>
    %dma_wait3A_188 = tpu.memref_squeeze %dma_wait3A_187 : memref<1x32x1024xf32, #tpu.memory_space<hbm>> -> memref<32x1024xf32, #tpu.memory_space<hbm>>
    tpu.wait_dma2 semaphore(%dma_wait3A_181 : memref<!tpu.dma_semaphore, #tpu.memory_space<semaphore_mem>>) src(%dma_wait3A_188 : memref<32x1024xf32, #tpu.memory_space<hbm>>) dst(%dma_wait3A_185 : memref<32x1024xf32, #tpu.memory_space<vmem>>)
    %scan3A = arith.constant 0 : i32
    %scan3A_189 = arith.constant 0 : i32
    %scan3A_190 = arith.constant 32 : i32
    %scan3A_191 = arith.addi %scan3A_189, %scan3A_190 : i32
    %scan3A_192 = arith.constant 1 : i32
    %scan3A_193 = scf.for %scan3A_703 = %scan3A_189 to %scan3A_191 step %scan3A_192 iter_args(%scan3A_704 = %scan3A) -> (i32)  : i32 {
      %mul3A_705 = arith.constant 32 : i32
      %mul3A_706 = arith.muli %scan3A_703, %mul3A_705 : i32
      %add3A_707 = arith.addi %mul3A_169, %mul3A_706 : i32
      %parallel_loop3A_708 = arith.constant 0 : i32
      %parallel_loop3A_709 = arith.constant 64 : i32
      %parallel_loop3A_710 = arith.constant 1 : i32
      scf.for %parallel_loop3A_712 = %parallel_loop3A_708 to %parallel_loop3A_709 step %parallel_loop3A_710  : i32 {
        %parallel_loop3A_713 = arith.constant 16 : i32
        %parallel_loop3A_714 = arith.muli %parallel_loop3A_712, %parallel_loop3A_713 : i32
        %parallel_loop3A_715 = arith.index_cast %parallel_loop3A_714 : i32 to index
        %parallel_loop3A_716 = tpu.vector_load %arg9[%parallel_loop3A_715] {strides = array<i32>} : memref<1024xi32, #tpu.memory_space<vmem>>, vector<16xi32>,
        %parallel_loop3A_717 = vector.broadcast %add3A_707 : i32 to vector<16xi32>
        %parallel_loop3A_718 = arith.addi %parallel_loop3A_716, %parallel_loop3A_717 : vector<16xi32>
        %parallel_loop3A_719 = tpu.vector_load_idx %arg10[%parallel_loop3A_718] : memref<2048xf32, #tpu.memory_space<vmem>>[vector<16xi32>], vector<16xf32>,
        %parallel_loop3A_720 = arith.constant 0 : i32
        %parallel_loop3A_721 = arith.index_cast %parallel_loop3A_720 : i32 to index
        %parallel_loop3A_722 = arith.index_cast %scan3A_703 : i32 to index
        %parallel_loop3A_723 = arith.index_cast %parallel_loop3A_714 : i32 to index
        %parallel_loop3A_724 = tpu.vector_load %arg7[%parallel_loop3A_721, %parallel_loop3A_722, %parallel_loop3A_723] {strides = array<i32>} : memref<2x32x1024xf32, #tpu.memory_space<vmem>>, vector<16xf32>,
        %parallel_loop3A_725 = arith.mulf %get3A_1, %parallel_loop3A_724 : vector<16xf32>
        %parallel_loop3A_726 = arith.mulf %sub3A_3, %parallel_loop3A_719 : vector<16xf32>
        %parallel_loop3A_727 = arith.addf %parallel_loop3A_725, %parallel_loop3A_726 : vector<16xf32>
        %parallel_loop3A_728 = arith.constant 0 : i32
        %parallel_loop3A_729 = arith.index_cast %parallel_loop3A_728 : i32 to index
        %parallel_loop3A_730 = arith.index_cast %scan3A_703 : i32 to index
        %parallel_loop3A_731 = arith.index_cast %parallel_loop3A_714 : i32 to index
        %parallel_loop3A_732 = tpu.vector_load %arg7[%parallel_loop3A_729, %parallel_loop3A_730, %parallel_loop3A_731] {strides = array<i32>} : memref<2x32x1024xf32, #tpu.memory_space<vmem>>, vector<16xf32>,
        tpu.vector_store %arg7[%parallel_loop3A_729, %parallel_loop3A_730, %parallel_loop3A_731], %parallel_loop3A_727 {strides = array<i32>} : memref<2x32x1024xf32, #tpu.memory_space<vmem>>, vector<16xf32>,
      } {sc.loop_unroll_factor = 8 : i64, sc.parallel_access}
      %scan3A_711 = arith.constant 0 : i32
      scf.yield %scan3A_711 : i32
    }
    %scan3A_194 = arith.constant 32 : i32
    %mul3A_195 = arith.constant 32 : i32
    %mul3A_196 = arith.muli %select_n3A_101, %mul3A_195 : i32
    %dma_start3A_197 = arith.constant 0 : i32
    %dma_start3A_198 = arith.constant 0 : i32
    %dma_start3A_199 = arith.constant 0 : i32
    %dma_start3A_200 = arith.constant 0 : i32
    %dma_start3A_201 = tpu.memref_slice %arg7[%dma_start3A_197, %dma_start3A_199, %dma_start3A_200] : memref<2x32x1024xf32, #tpu.memory_space<vmem>> -> memref<1x32x1024xf32, #tpu.memory_space<vmem>>
    %dma_start3A_202 = tpu.memref_squeeze %dma_start3A_201 : memref<1x32x1024xf32, #tpu.memory_space<vmem>> -> memref<32x1024xf32, #tpu.memory_space<vmem>>
    %dma_start3A_203 = arith.constant 0 : i32
    %dma_start3A_204 = tpu.memref_slice %arg6[%select_n3A_85, %mul3A_196, %dma_start3A_203] : memref<64x64x1024xf32, #tpu.memory_space<hbm>> -> memref<1x32x1024xf32, #tpu.memory_space<hbm>>
    %dma_start3A_205 = tpu.memref_squeeze %dma_start3A_204 : memref<1x32x1024xf32, #tpu.memory_space<hbm>> -> memref<32x1024xf32, #tpu.memory_space<hbm>>
    %dma_start3A_206 = tpu.memref_slice %arg13[%dma_start3A_198] : memref<2x!tpu.dma_semaphore, #tpu.memory_space<semaphore_mem>> -> memref<1x!tpu.dma_semaphore, #tpu.memory_space<semaphore_mem>>
    %dma_start3A_207 = tpu.memref_squeeze %dma_start3A_206 : memref<1x!tpu.dma_semaphore, #tpu.memory_space<semaphore_mem>> -> memref<!tpu.dma_semaphore, #tpu.memory_space<semaphore_mem>>
    %dma_start3A_208 = arith.constant 0 : i32
    %dma_start3A_209 = tpu.memref_slice %arg6[%select_n3A_85, %mul3A_196, %dma_start3A_208] : memref<64x64x1024xf32, #tpu.memory_space<hbm>> -> memref<1x32x1024xf32, #tpu.memory_space<hbm>>
    %dma_start3A_210 = tpu.memref_squeeze %dma_start3A_209 : memref<1x32x1024xf32, #tpu.memory_space<hbm>> -> memref<32x1024xf32, #tpu.memory_space<hbm>>
    %dma_start3A_211 = arith.constant 0 : i32
    %dma_start3A_212 = arith.constant 0 : i32
    %dma_start3A_213 = tpu.memref_slice %arg7[%dma_start3A_197, %dma_start3A_211, %dma_start3A_212] : memref<2x32x1024xf32, #tpu.memory_space<vmem>> -> memref<1x32x1024xf32, #tpu.memory_space<vmem>>
    %dma_start3A_214 = tpu.memref_squeeze %dma_start3A_213 : memref<1x32x1024xf32, #tpu.memory_space<vmem>> -> memref<32x1024xf32, #tpu.memory_space<vmem>>
    tpu.enqueue_dma source(%dma_start3A_214 : memref<32x1024xf32, #tpu.memory_space<vmem>>) target(%dma_start3A_210 : memref<32x1024xf32, #tpu.memory_space<hbm>>) target_semaphore(%dma_start3A_207 : memref<!tpu.dma_semaphore, #tpu.memory_space<semaphore_mem>>)
    %mul3A_215 = arith.constant 4 : i32
    %mul3A_216 = arith.muli %add3A, %mul3A_215 : i32
    %add3A_217 = arith.constant 1 : i32
    %add3A_218 = arith.addi %mul3A_216, %add3A_217 : i32
    %jit3A_219 = arith.constant 2 : i32
    %div3A_220 = arith.divsi %add3A_218, %jit3A_219 : i32
    %sign3A_221 = arith.constant 0 : i32
    %sign3A_222 = arith.cmpi sgt, %add3A_218, %sign3A_221 : i32
    %sign3A_223 = arith.extui %sign3A_222 : i1 to i32
    %sign3A_224 = arith.constant 0 : i32
    %sign3A_225 = arith.cmpi slt, %add3A_218, %sign3A_224 : i32
    %sign3A_226 = arith.extui %sign3A_225 : i1 to i32
    %sign3A_227 = arith.subi %sign3A_223, %sign3A_226 : i32
    %sign3A_228 = arith.constant 0 : i32
    %sign3A_229 = arith.cmpi sgt, %jit3A_219, %sign3A_228 : i32
    %sign3A_230 = arith.extui %sign3A_229 : i1 to i32
    %sign3A_231 = arith.constant 0 : i32
    %sign3A_232 = arith.cmpi slt, %jit3A_219, %sign3A_231 : i32
    %sign3A_233 = arith.extui %sign3A_232 : i1 to i32
    %sign3A_234 = arith.subi %sign3A_230, %sign3A_233 : i32
    %ne3A_235 = arith.cmpi ne, %sign3A_227, %sign3A_234 : i32
    %rem3A_236 = arith.remsi %add3A_218, %jit3A_219 : i32
    %ne3A_237 = arith.constant 0 : i32
    %ne3A_238 = arith.cmpi ne, %rem3A_236, %ne3A_237 : i32
    %and3A_239 = arith.andi %ne3A_235, %ne3A_238 : i1
    %sub3A_240 = arith.constant 1 : i32
    %sub3A_241 = arith.subi %div3A_220, %sub3A_240 : i32
    %select_n3A_242 = arith.select %and3A_239, %sub3A_241, %div3A_220 : i32
    %jit3A_243 = arith.constant 2 : i32
    %eq3A_244 = arith.constant 0 : i32
    %eq3A_245 = arith.cmpi eq, %jit3A_243, %eq3A_244 : i32
    %jit3A_246 = arith.constant 1 : i32
    %select_n3A_247 = arith.select %eq3A_245, %jit3A_246, %jit3A_243 : i32
    %rem3A_248 = arith.remsi %add3A_218, %select_n3A_247 : i32
    %ne3A_249 = arith.constant 0 : i32
    %ne3A_250 = arith.cmpi ne, %rem3A_248, %ne3A_249 : i32
    %lt3A_251 = arith.constant 0 : i32
    %lt3A_252 = arith.cmpi slt, %rem3A_248, %lt3A_251 : i32
    %lt3A_253 = arith.constant 0 : i32
    %lt3A_254 = arith.cmpi slt, %select_n3A_247, %lt3A_253 : i32
    %ne3A_255 = arith.xori %lt3A_252, %lt3A_254 : i1
    %and3A_256 = arith.andi %ne3A_255, %ne3A_250 : i1
    %add3A_257 = arith.addi %rem3A_248, %select_n3A_247 : i32
    %select_n3A_258 = arith.select %and3A_256, %add3A_257, %rem3A_248 : i32
    %dma_wait3A_259 = arith.constant 0 : i32
    %dma_wait3A_260 = arith.constant 0 : i32
    %dma_wait3A_261 = arith.constant 0 : i32
    %dma_wait3A_262 = arith.constant 0 : i32
    %dma_wait3A_263 = tpu.memref_slice %arg7[%dma_wait3A_259, %dma_wait3A_261, %dma_wait3A_262] : memref<2x32x1024xf32, #tpu.memory_space<vmem>> -> memref<1x32x1024xf32, #tpu.memory_space<vmem>>
    %dma_wait3A_264 = tpu.memref_squeeze %dma_wait3A_263 : memref<1x32x1024xf32, #tpu.memory_space<vmem>> -> memref<32x1024xf32, #tpu.memory_space<vmem>>
    %dma_wait3A_265 = arith.constant 0 : i32
    %dma_wait3A_266 = tpu.memref_slice %arg6[%select_n3A_85, %mul3A_196, %dma_wait3A_265] : memref<64x64x1024xf32, #tpu.memory_space<hbm>> -> memref<1x32x1024xf32, #tpu.memory_space<hbm>>
    %dma_wait3A_267 = tpu.memref_squeeze %dma_wait3A_266 : memref<1x32x1024xf32, #tpu.memory_space<hbm>> -> memref<32x1024xf32, #tpu.memory_space<hbm>>
    %dma_wait3A_268 = tpu.memref_slice %arg13[%dma_wait3A_260] : memref<2x!tpu.dma_semaphore, #tpu.memory_space<semaphore_mem>> -> memref<1x!tpu.dma_semaphore, #tpu.memory_space<semaphore_mem>>
    %dma_wait3A_269 = tpu.memref_squeeze %dma_wait3A_268 : memref<1x!tpu.dma_semaphore, #tpu.memory_space<semaphore_mem>> -> memref<!tpu.dma_semaphore, #tpu.memory_space<semaphore_mem>>
    %dma_wait3A_270 = arith.constant 0 : i32
    %dma_wait3A_271 = tpu.memref_slice %arg6[%select_n3A_85, %mul3A_196, %dma_wait3A_270] : memref<64x64x1024xf32, #tpu.memory_space<hbm>> -> memref<1x32x1024xf32, #tpu.memory_space<hbm>>
    %dma_wait3A_272 = tpu.memref_squeeze %dma_wait3A_271 : memref<1x32x1024xf32, #tpu.memory_space<hbm>> -> memref<32x1024xf32, #tpu.memory_space<hbm>>
    %dma_wait3A_273 = arith.constant 0 : i32
    %dma_wait3A_274 = arith.constant 0 : i32
    %dma_wait3A_275 = tpu.memref_slice %arg7[%dma_wait3A_259, %dma_wait3A_273, %dma_wait3A_274] : memref<2x32x1024xf32, #tpu.memory_space<vmem>> -> memref<1x32x1024xf32, #tpu.memory_space<vmem>>
    %dma_wait3A_276 = tpu.memref_squeeze %dma_wait3A_275 : memref<1x32x1024xf32, #tpu.memory_space<vmem>> -> memref<32x1024xf32, #tpu.memory_space<vmem>>
    tpu.wait_dma2 semaphore(%dma_wait3A_269 : memref<!tpu.dma_semaphore, #tpu.memory_space<semaphore_mem>>) src(%dma_wait3A_276 : memref<32x1024xf32, #tpu.memory_space<vmem>>) dst(%dma_wait3A_272 : memref<32x1024xf32, #tpu.memory_space<hbm>>)
    %mul3A_277 = arith.constant 4 : i32
    %mul3A_278 = arith.muli %add3A, %mul3A_277 : i32
    %add3A_279 = arith.constant 2 : i32
    %add3A_280 = arith.addi %mul3A_278, %add3A_279 : i32
    %jit3A_281 = arith.constant 2 : i32
    %div3A_282 = arith.divsi %add3A_280, %jit3A_281 : i32
    %sign3A_283 = arith.constant 0 : i32
    %sign3A_284 = arith.cmpi sgt, %add3A_280, %sign3A_283 : i32
    %sign3A_285 = arith.extui %sign3A_284 : i1 to i32
    %sign3A_286 = arith.constant 0 : i32
    %sign3A_287 = arith.cmpi slt, %add3A_280, %sign3A_286 : i32
    %sign3A_288 = arith.extui %sign3A_287 : i1 to i32
    %sign3A_289 = arith.subi %sign3A_285, %sign3A_288 : i32
    %sign3A_290 = arith.constant 0 : i32
    %sign3A_291 = arith.cmpi sgt, %jit3A_281, %sign3A_290 : i32
    %sign3A_292 = arith.extui %sign3A_291 : i1 to i32
    %sign3A_293 = arith.constant 0 : i32
    %sign3A_294 = arith.cmpi slt, %jit3A_281, %sign3A_293 : i32
    %sign3A_295 = arith.extui %sign3A_294 : i1 to i32
    %sign3A_296 = arith.subi %sign3A_292, %sign3A_295 : i32
    %ne3A_297 = arith.cmpi ne, %sign3A_289, %sign3A_296 : i32
    %rem3A_298 = arith.remsi %add3A_280, %jit3A_281 : i32
    %ne3A_299 = arith.constant 0 : i32
    %ne3A_300 = arith.cmpi ne, %rem3A_298, %ne3A_299 : i32
    %and3A_301 = arith.andi %ne3A_297, %ne3A_300 : i1
    %sub3A_302 = arith.constant 1 : i32
    %sub3A_303 = arith.subi %div3A_282, %sub3A_302 : i32
    %select_n3A_304 = arith.select %and3A_301, %sub3A_303, %div3A_282 : i32
    %jit3A_305 = arith.constant 2 : i32
    %eq3A_306 = arith.constant 0 : i32
    %eq3A_307 = arith.cmpi eq, %jit3A_305, %eq3A_306 : i32
    %jit3A_308 = arith.constant 1 : i32
    %select_n3A_309 = arith.select %eq3A_307, %jit3A_308, %jit3A_305 : i32
    %rem3A_310 = arith.remsi %add3A_280, %select_n3A_309 : i32
    %ne3A_311 = arith.constant 0 : i32
    %ne3A_312 = arith.cmpi ne, %rem3A_310, %ne3A_311 : i32
    %lt3A_313 = arith.constant 0 : i32
    %lt3A_314 = arith.cmpi slt, %rem3A_310, %lt3A_313 : i32
    %lt3A_315 = arith.constant 0 : i32
    %lt3A_316 = arith.cmpi slt, %select_n3A_309, %lt3A_315 : i32
    %ne3A_317 = arith.xori %lt3A_314, %lt3A_316 : i1
    %and3A_318 = arith.andi %ne3A_317, %ne3A_312 : i1
    %add3A_319 = arith.addi %rem3A_310, %select_n3A_309 : i32
    %select_n3A_320 = arith.select %and3A_318, %add3A_319, %rem3A_310 : i32
    %mul3A_321 = arith.constant 32 : i32
    %mul3A_322 = arith.muli %select_n3A_320, %mul3A_321 : i32
    %dma_start3A_323 = arith.constant 0 : i32
    %dma_start3A_324 = arith.constant 0 : i32
    %dma_start3A_325 = arith.constant 0 : i32
    %dma_start3A_326 = arith.constant 0 : i32
    %dma_start3A_327 = tpu.memref_slice %arg7[%dma_start3A_323, %dma_start3A_325, %dma_start3A_326] : memref<2x32x1024xf32, #tpu.memory_space<vmem>> -> memref<1x32x1024xf32, #tpu.memory_space<vmem>>
    %dma_start3A_328 = tpu.memref_squeeze %dma_start3A_327 : memref<1x32x1024xf32, #tpu.memory_space<vmem>> -> memref<32x1024xf32, #tpu.memory_space<vmem>>
    %dma_start3A_329 = arith.constant 0 : i32
    %dma_start3A_330 = tpu.memref_slice %arg2[%select_n3A_304, %mul3A_322, %dma_start3A_329] : memref<64x64x1024xf32, #tpu.memory_space<hbm>> -> memref<1x32x1024xf32, #tpu.memory_space<hbm>>
    %dma_start3A_331 = tpu.memref_squeeze %dma_start3A_330 : memref<1x32x1024xf32, #tpu.memory_space<hbm>> -> memref<32x1024xf32, #tpu.memory_space<hbm>>
    %dma_start3A_332 = tpu.memref_slice %arg12[%dma_start3A_324] : memref<2x!tpu.dma_semaphore, #tpu.memory_space<semaphore_mem>> -> memref<1x!tpu.dma_semaphore, #tpu.memory_space<semaphore_mem>>
    %dma_start3A_333 = tpu.memref_squeeze %dma_start3A_332 : memref<1x!tpu.dma_semaphore, #tpu.memory_space<semaphore_mem>> -> memref<!tpu.dma_semaphore, #tpu.memory_space<semaphore_mem>>
    %dma_start3A_334 = arith.constant 0 : i32
    %dma_start3A_335 = arith.constant 0 : i32
    %dma_start3A_336 = tpu.memref_slice %arg7[%dma_start3A_323, %dma_start3A_334, %dma_start3A_335] : memref<2x32x1024xf32, #tpu.memory_space<vmem>> -> memref<1x32x1024xf32, #tpu.memory_space<vmem>>
    %dma_start3A_337 = tpu.memref_squeeze %dma_start3A_336 : memref<1x32x1024xf32, #tpu.memory_space<vmem>> -> memref<32x1024xf32, #tpu.memory_space<vmem>>
    %dma_start3A_338 = arith.constant 0 : i32
    %dma_start3A_339 = tpu.memref_slice %arg2[%select_n3A_304, %mul3A_322, %dma_start3A_338] : memref<64x64x1024xf32, #tpu.memory_space<hbm>> -> memref<1x32x1024xf32, #tpu.memory_space<hbm>>
    %dma_start3A_340 = tpu.memref_squeeze %dma_start3A_339 : memref<1x32x1024xf32, #tpu.memory_space<hbm>> -> memref<32x1024xf32, #tpu.memory_space<hbm>>
    tpu.enqueue_dma source(%dma_start3A_340 : memref<32x1024xf32, #tpu.memory_space<hbm>>) target(%dma_start3A_337 : memref<32x1024xf32, #tpu.memory_space<vmem>>) target_semaphore(%dma_start3A_333 : memref<!tpu.dma_semaphore, #tpu.memory_space<semaphore_mem>>)
    "tpu.region"() ({
      %run_scoped3A = tpu.sem_alloc : memref<!tpu.dma_semaphore, #tpu.memory_space<semaphore_mem>>
      %dma_start3A_703 = arith.constant 0 : i32
      %dma_start3A_704 = tpu.memref_slice %arg3[%select_n3A_242, %dma_start3A_703] : memref<64x1024xi32, #tpu.memory_space<hbm>> -> memref<1x1024xi32, #tpu.memory_space<hbm>>
      %dma_start3A_705 = tpu.memref_squeeze %dma_start3A_704 : memref<1x1024xi32, #tpu.memory_space<hbm>> -> memref<1024xi32, #tpu.memory_space<hbm>>
      %dma_start3A_706 = arith.constant 0 : i32
      %dma_start3A_707 = tpu.memref_slice %arg3[%select_n3A_242, %dma_start3A_706] : memref<64x1024xi32, #tpu.memory_space<hbm>> -> memref<1x1024xi32, #tpu.memory_space<hbm>>
      %dma_start3A_708 = tpu.memref_squeeze %dma_start3A_707 : memref<1x1024xi32, #tpu.memory_space<hbm>> -> memref<1024xi32, #tpu.memory_space<hbm>>
      tpu.enqueue_dma source(%dma_start3A_708 : memref<1024xi32, #tpu.memory_space<hbm>>) target(%arg8 : memref<1024xi32, #tpu.memory_space<vmem>>) target_semaphore(%run_scoped3A : memref<!tpu.dma_semaphore, #tpu.memory_space<semaphore_mem>>)
      %dma_wait3A_709 = arith.constant 0 : i32
      %dma_wait3A_710 = tpu.memref_slice %arg3[%select_n3A_242, %dma_wait3A_709] : memref<64x1024xi32, #tpu.memory_space<hbm>> -> memref<1x1024xi32, #tpu.memory_space<hbm>>
      %dma_wait3A_711 = tpu.memref_squeeze %dma_wait3A_710 : memref<1x1024xi32, #tpu.memory_space<hbm>> -> memref<1024xi32, #tpu.memory_space<hbm>>
      %dma_wait3A_712 = arith.constant 0 : i32
      %dma_wait3A_713 = tpu.memref_slice %arg3[%select_n3A_242, %dma_wait3A_712] : memref<64x1024xi32, #tpu.memory_space<hbm>> -> memref<1x1024xi32, #tpu.memory_space<hbm>>
      %dma_wait3A_714 = tpu.memref_squeeze %dma_wait3A_713 : memref<1x1024xi32, #tpu.memory_space<hbm>> -> memref<1024xi32, #tpu.memory_space<hbm>>
      tpu.wait_dma2 semaphore(%run_scoped3A : memref<!tpu.dma_semaphore, #tpu.memory_space<semaphore_mem>>) src(%dma_wait3A_714 : memref<1024xi32, #tpu.memory_space<hbm>>) dst(%arg8 : memref<1024xi32, #tpu.memory_space<vmem>>)
      tpu.yield
    }) : () -> ()
    %mul3A_341 = arith.constant 5 : i32
    %mul3A_342 = arith.muli %mul3A_341, %select_n3A_258 : i32
    %mul3A_343 = arith.constant 1024 : i32
    %mul3A_344 = arith.muli %select_n3A_258, %mul3A_343 : i32
    %parallel_loop3A_345 = arith.constant 0 : i32
    %parallel_loop3A_346 = arith.constant 64 : i32
    %parallel_loop3A_347 = arith.constant 1 : i32
    scf.for %parallel_loop3A_703 = %parallel_loop3A_345 to %parallel_loop3A_346 step %parallel_loop3A_347  : i32 {
      %parallel_loop3A_704 = arith.constant 16 : i32
      %parallel_loop3A_705 = arith.muli %parallel_loop3A_703, %parallel_loop3A_704 : i32
      %parallel_loop3A_706 = arith.index_cast %parallel_loop3A_705 : i32 to index
      %parallel_loop3A_707 = tpu.vector_load %arg8[%parallel_loop3A_706] {strides = array<i32>} : memref<1024xi32, #tpu.memory_space<vmem>>, vector<16xi32>,
      %parallel_loop3A_708 = vector.broadcast %mul3A_342 : i32 to vector<16xi32>
      %parallel_loop3A_709 = arith.shrui %parallel_loop3A_707, %parallel_loop3A_708 : vector<16xi32>
      %parallel_loop3A_710 = arith.constant 31 : i32
      %parallel_loop3A_711 = vector.broadcast %parallel_loop3A_710 : i32 to vector<16xi32>
      %parallel_loop3A_712 = arith.andi %parallel_loop3A_709, %parallel_loop3A_711 : vector<16xi32>
      %parallel_loop3A_713 = arith.constant 16 : i32
      %parallel_loop3A_714 = arith.muli %parallel_loop3A_703, %parallel_loop3A_713 : i32
      %parallel_loop3A_715 = arith.index_cast %parallel_loop3A_714 : i32 to index
      %parallel_loop3A_716 = tpu.vector_load %arg9[%parallel_loop3A_715] {strides = array<i32>} : memref<1024xi32, #tpu.memory_space<vmem>>, vector<16xi32>,
      tpu.vector_store %arg9[%parallel_loop3A_715], %parallel_loop3A_712 {strides = array<i32>} : memref<1024xi32, #tpu.memory_space<vmem>>, vector<16xi32>,
    } {sc.loop_unroll_factor = 8 : i64, sc.parallel_access}
    %dma_wait3A_348 = arith.constant 1 : i32
    %dma_wait3A_349 = arith.constant 1 : i32
    %dma_wait3A_350 = arith.constant 0 : i32
    %dma_wait3A_351 = arith.constant 0 : i32
    %dma_wait3A_352 = tpu.memref_slice %arg7[%dma_wait3A_348, %dma_wait3A_350, %dma_wait3A_351] : memref<2x32x1024xf32, #tpu.memory_space<vmem>> -> memref<1x32x1024xf32, #tpu.memory_space<vmem>>
    %dma_wait3A_353 = tpu.memref_squeeze %dma_wait3A_352 : memref<1x32x1024xf32, #tpu.memory_space<vmem>> -> memref<32x1024xf32, #tpu.memory_space<vmem>>
    %dma_wait3A_354 = arith.constant 0 : i32
    %dma_wait3A_355 = tpu.memref_slice %arg2[%select_n3A_129, %mul3A_147, %dma_wait3A_354] : memref<64x64x1024xf32, #tpu.memory_space<hbm>> -> memref<1x32x1024xf32, #tpu.memory_space<hbm>>
    %dma_wait3A_356 = tpu.memref_squeeze %dma_wait3A_355 : memref<1x32x1024xf32, #tpu.memory_space<hbm>> -> memref<32x1024xf32, #tpu.memory_space<hbm>>
    %dma_wait3A_357 = tpu.memref_slice %arg12[%dma_wait3A_349] : memref<2x!tpu.dma_semaphore, #tpu.memory_space<semaphore_mem>> -> memref<1x!tpu.dma_semaphore, #tpu.memory_space<semaphore_mem>>
    %dma_wait3A_358 = tpu.memref_squeeze %dma_wait3A_357 : memref<1x!tpu.dma_semaphore, #tpu.memory_space<semaphore_mem>> -> memref<!tpu.dma_semaphore, #tpu.memory_space<semaphore_mem>>
    %dma_wait3A_359 = arith.constant 0 : i32
    %dma_wait3A_360 = arith.constant 0 : i32
    %dma_wait3A_361 = tpu.memref_slice %arg7[%dma_wait3A_348, %dma_wait3A_359, %dma_wait3A_360] : memref<2x32x1024xf32, #tpu.memory_space<vmem>> -> memref<1x32x1024xf32, #tpu.memory_space<vmem>>
    %dma_wait3A_362 = tpu.memref_squeeze %dma_wait3A_361 : memref<1x32x1024xf32, #tpu.memory_space<vmem>> -> memref<32x1024xf32, #tpu.memory_space<vmem>>
    %dma_wait3A_363 = arith.constant 0 : i32
    %dma_wait3A_364 = tpu.memref_slice %arg2[%select_n3A_129, %mul3A_147, %dma_wait3A_363] : memref<64x64x1024xf32, #tpu.memory_space<hbm>> -> memref<1x32x1024xf32, #tpu.memory_space<hbm>>
    %dma_wait3A_365 = tpu.memref_squeeze %dma_wait3A_364 : memref<1x32x1024xf32, #tpu.memory_space<hbm>> -> memref<32x1024xf32, #tpu.memory_space<hbm>>
    tpu.wait_dma2 semaphore(%dma_wait3A_358 : memref<!tpu.dma_semaphore, #tpu.memory_space<semaphore_mem>>) src(%dma_wait3A_365 : memref<32x1024xf32, #tpu.memory_space<hbm>>) dst(%dma_wait3A_362 : memref<32x1024xf32, #tpu.memory_space<vmem>>)
    %scan3A_366 = arith.constant 0 : i32
    %scan3A_367 = arith.constant 0 : i32
    %scan3A_368 = arith.constant 32 : i32
    %scan3A_369 = arith.addi %scan3A_367, %scan3A_368 : i32
    %scan3A_370 = arith.constant 1 : i32
    %scan3A_371 = scf.for %scan3A_703 = %scan3A_367 to %scan3A_369 step %scan3A_370 iter_args(%scan3A_704 = %scan3A_366) -> (i32)  : i32 {
      %mul3A_705 = arith.constant 32 : i32
      %mul3A_706 = arith.muli %scan3A_703, %mul3A_705 : i32
      %add3A_707 = arith.addi %mul3A_344, %mul3A_706 : i32
      %parallel_loop3A_708 = arith.constant 0 : i32
      %parallel_loop3A_709 = arith.constant 64 : i32
      %parallel_loop3A_710 = arith.constant 1 : i32
      scf.for %parallel_loop3A_712 = %parallel_loop3A_708 to %parallel_loop3A_709 step %parallel_loop3A_710  : i32 {
        %parallel_loop3A_713 = arith.constant 16 : i32
        %parallel_loop3A_714 = arith.muli %parallel_loop3A_712, %parallel_loop3A_713 : i32
        %parallel_loop3A_715 = arith.index_cast %parallel_loop3A_714 : i32 to index
        %parallel_loop3A_716 = tpu.vector_load %arg9[%parallel_loop3A_715] {strides = array<i32>} : memref<1024xi32, #tpu.memory_space<vmem>>, vector<16xi32>,
        %parallel_loop3A_717 = vector.broadcast %add3A_707 : i32 to vector<16xi32>
        %parallel_loop3A_718 = arith.addi %parallel_loop3A_716, %parallel_loop3A_717 : vector<16xi32>
        %parallel_loop3A_719 = tpu.vector_load_idx %arg10[%parallel_loop3A_718] : memref<2048xf32, #tpu.memory_space<vmem>>[vector<16xi32>], vector<16xf32>,
        %parallel_loop3A_720 = arith.constant 1 : i32
        %parallel_loop3A_721 = arith.index_cast %parallel_loop3A_720 : i32 to index
        %parallel_loop3A_722 = arith.index_cast %scan3A_703 : i32 to index
        %parallel_loop3A_723 = arith.index_cast %parallel_loop3A_714 : i32 to index
        %parallel_loop3A_724 = tpu.vector_load %arg7[%parallel_loop3A_721, %parallel_loop3A_722, %parallel_loop3A_723] {strides = array<i32>} : memref<2x32x1024xf32, #tpu.memory_space<vmem>>, vector<16xf32>,
        %parallel_loop3A_725 = arith.mulf %get3A_1, %parallel_loop3A_724 : vector<16xf32>
        %parallel_loop3A_726 = arith.mulf %sub3A_3, %parallel_loop3A_719 : vector<16xf32>
        %parallel_loop3A_727 = arith.addf %parallel_loop3A_725, %parallel_loop3A_726 : vector<16xf32>
        %parallel_loop3A_728 = arith.constant 1 : i32
        %parallel_loop3A_729 = arith.index_cast %parallel_loop3A_728 : i32 to index
        %parallel_loop3A_730 = arith.index_cast %scan3A_703 : i32 to index
        %parallel_loop3A_731 = arith.index_cast %parallel_loop3A_714 : i32 to index
        %parallel_loop3A_732 = tpu.vector_load %arg7[%parallel_loop3A_729, %parallel_loop3A_730, %parallel_loop3A_731] {strides = array<i32>} : memref<2x32x1024xf32, #tpu.memory_space<vmem>>, vector<16xf32>,
        tpu.vector_store %arg7[%parallel_loop3A_729, %parallel_loop3A_730, %parallel_loop3A_731], %parallel_loop3A_727 {strides = array<i32>} : memref<2x32x1024xf32, #tpu.memory_space<vmem>>, vector<16xf32>,
      } {sc.loop_unroll_factor = 8 : i64, sc.parallel_access}
      %scan3A_711 = arith.constant 0 : i32
      scf.yield %scan3A_711 : i32
    }
    %scan3A_372 = arith.constant 32 : i32
    %mul3A_373 = arith.constant 32 : i32
    %mul3A_374 = arith.muli %select_n3A_258, %mul3A_373 : i32
    %dma_start3A_375 = arith.constant 1 : i32
    %dma_start3A_376 = arith.constant 1 : i32
    %dma_start3A_377 = arith.constant 0 : i32
    %dma_start3A_378 = arith.constant 0 : i32
    %dma_start3A_379 = tpu.memref_slice %arg7[%dma_start3A_375, %dma_start3A_377, %dma_start3A_378] : memref<2x32x1024xf32, #tpu.memory_space<vmem>> -> memref<1x32x1024xf32, #tpu.memory_space<vmem>>
    %dma_start3A_380 = tpu.memref_squeeze %dma_start3A_379 : memref<1x32x1024xf32, #tpu.memory_space<vmem>> -> memref<32x1024xf32, #tpu.memory_space<vmem>>
    %dma_start3A_381 = arith.constant 0 : i32
    %dma_start3A_382 = tpu.memref_slice %arg6[%select_n3A_242, %mul3A_374, %dma_start3A_381] : memref<64x64x1024xf32, #tpu.memory_space<hbm>> -> memref<1x32x1024xf32, #tpu.memory_space<hbm>>
    %dma_start3A_383 = tpu.memref_squeeze %dma_start3A_382 : memref<1x32x1024xf32, #tpu.memory_space<hbm>> -> memref<32x1024xf32, #tpu.memory_space<hbm>>
    %dma_start3A_384 = tpu.memref_slice %arg13[%dma_start3A_376] : memref<2x!tpu.dma_semaphore, #tpu.memory_space<semaphore_mem>> -> memref<1x!tpu.dma_semaphore, #tpu.memory_space<semaphore_mem>>
    %dma_start3A_385 = tpu.memref_squeeze %dma_start3A_384 : memref<1x!tpu.dma_semaphore, #tpu.memory_space<semaphore_mem>> -> memref<!tpu.dma_semaphore, #tpu.memory_space<semaphore_mem>>
    %dma_start3A_386 = arith.constant 0 : i32
    %dma_start3A_387 = tpu.memref_slice %arg6[%select_n3A_242, %mul3A_374, %dma_start3A_386] : memref<64x64x1024xf32, #tpu.memory_space<hbm>> -> memref<1x32x1024xf32, #tpu.memory_space<hbm>>
    %dma_start3A_388 = tpu.memref_squeeze %dma_start3A_387 : memref<1x32x1024xf32, #tpu.memory_space<hbm>> -> memref<32x1024xf32, #tpu.memory_space<hbm>>
    %dma_start3A_389 = arith.constant 0 : i32
    %dma_start3A_390 = arith.constant 0 : i32
    %dma_start3A_391 = tpu.memref_slice %arg7[%dma_start3A_375, %dma_start3A_389, %dma_start3A_390] : memref<2x32x1024xf32, #tpu.memory_space<vmem>> -> memref<1x32x1024xf32, #tpu.memory_space<vmem>>
    %dma_start3A_392 = tpu.memref_squeeze %dma_start3A_391 : memref<1x32x1024xf32, #tpu.memory_space<vmem>> -> memref<32x1024xf32, #tpu.memory_space<vmem>>
    tpu.enqueue_dma source(%dma_start3A_392 : memref<32x1024xf32, #tpu.memory_space<vmem>>) target(%dma_start3A_388 : memref<32x1024xf32, #tpu.memory_space<hbm>>) target_semaphore(%dma_start3A_385 : memref<!tpu.dma_semaphore, #tpu.memory_space<semaphore_mem>>)
    %mul3A_393 = arith.constant 4 : i32
    %mul3A_394 = arith.muli %add3A, %mul3A_393 : i32
    %add3A_395 = arith.constant 2 : i32
    %add3A_396 = arith.addi %mul3A_394, %add3A_395 : i32
    %jit3A_397 = arith.constant 2 : i32
    %div3A_398 = arith.divsi %add3A_396, %jit3A_397 : i32
    %sign3A_399 = arith.constant 0 : i32
    %sign3A_400 = arith.cmpi sgt, %add3A_396, %sign3A_399 : i32
    %sign3A_401 = arith.extui %sign3A_400 : i1 to i32
    %sign3A_402 = arith.constant 0 : i32
    %sign3A_403 = arith.cmpi slt, %add3A_396, %sign3A_402 : i32
    %sign3A_404 = arith.extui %sign3A_403 : i1 to i32
    %sign3A_405 = arith.subi %sign3A_401, %sign3A_404 : i32
    %sign3A_406 = arith.constant 0 : i32
    %sign3A_407 = arith.cmpi sgt, %jit3A_397, %sign3A_406 : i32
    %sign3A_408 = arith.extui %sign3A_407 : i1 to i32
    %sign3A_409 = arith.constant 0 : i32
    %sign3A_410 = arith.cmpi slt, %jit3A_397, %sign3A_409 : i32
    %sign3A_411 = arith.extui %sign3A_410 : i1 to i32
    %sign3A_412 = arith.subi %sign3A_408, %sign3A_411 : i32
    %ne3A_413 = arith.cmpi ne, %sign3A_405, %sign3A_412 : i32
    %rem3A_414 = arith.remsi %add3A_396, %jit3A_397 : i32
    %ne3A_415 = arith.constant 0 : i32
    %ne3A_416 = arith.cmpi ne, %rem3A_414, %ne3A_415 : i32
    %and3A_417 = arith.andi %ne3A_413, %ne3A_416 : i1
    %sub3A_418 = arith.constant 1 : i32
    %sub3A_419 = arith.subi %div3A_398, %sub3A_418 : i32
    %select_n3A_420 = arith.select %and3A_417, %sub3A_419, %div3A_398 : i32
    %jit3A_421 = arith.constant 2 : i32
    %eq3A_422 = arith.constant 0 : i32
    %eq3A_423 = arith.cmpi eq, %jit3A_421, %eq3A_422 : i32
    %jit3A_424 = arith.constant 1 : i32
    %select_n3A_425 = arith.select %eq3A_423, %jit3A_424, %jit3A_421 : i32
    %rem3A_426 = arith.remsi %add3A_396, %select_n3A_425 : i32
    %ne3A_427 = arith.constant 0 : i32
    %ne3A_428 = arith.cmpi ne, %rem3A_426, %ne3A_427 : i32
    %lt3A_429 = arith.constant 0 : i32
    %lt3A_430 = arith.cmpi slt, %rem3A_426, %lt3A_429 : i32
    %lt3A_431 = arith.constant 0 : i32
    %lt3A_432 = arith.cmpi slt, %select_n3A_425, %lt3A_431 : i32
    %ne3A_433 = arith.xori %lt3A_430, %lt3A_432 : i1
    %and3A_434 = arith.andi %ne3A_433, %ne3A_428 : i1
    %add3A_435 = arith.addi %rem3A_426, %select_n3A_425 : i32
    %select_n3A_436 = arith.select %and3A_434, %add3A_435, %rem3A_426 : i32
    %dma_wait3A_437 = arith.constant 1 : i32
    %dma_wait3A_438 = arith.constant 1 : i32
    %dma_wait3A_439 = arith.constant 0 : i32
    %dma_wait3A_440 = arith.constant 0 : i32
    %dma_wait3A_441 = tpu.memref_slice %arg7[%dma_wait3A_437, %dma_wait3A_439, %dma_wait3A_440] : memref<2x32x1024xf32, #tpu.memory_space<vmem>> -> memref<1x32x1024xf32, #tpu.memory_space<vmem>>
    %dma_wait3A_442 = tpu.memref_squeeze %dma_wait3A_441 : memref<1x32x1024xf32, #tpu.memory_space<vmem>> -> memref<32x1024xf32, #tpu.memory_space<vmem>>
    %dma_wait3A_443 = arith.constant 0 : i32
    %dma_wait3A_444 = tpu.memref_slice %arg6[%select_n3A_242, %mul3A_374, %dma_wait3A_443] : memref<64x64x1024xf32, #tpu.memory_space<hbm>> -> memref<1x32x1024xf32, #tpu.memory_space<hbm>>
    %dma_wait3A_445 = tpu.memref_squeeze %dma_wait3A_444 : memref<1x32x1024xf32, #tpu.memory_space<hbm>> -> memref<32x1024xf32, #tpu.memory_space<hbm>>
    %dma_wait3A_446 = tpu.memref_slice %arg13[%dma_wait3A_438] : memref<2x!tpu.dma_semaphore, #tpu.memory_space<semaphore_mem>> -> memref<1x!tpu.dma_semaphore, #tpu.memory_space<semaphore_mem>>
    %dma_wait3A_447 = tpu.memref_squeeze %dma_wait3A_446 : memref<1x!tpu.dma_semaphore, #tpu.memory_space<semaphore_mem>> -> memref<!tpu.dma_semaphore, #tpu.memory_space<semaphore_mem>>
    %dma_wait3A_448 = arith.constant 0 : i32
    %dma_wait3A_449 = tpu.memref_slice %arg6[%select_n3A_242, %mul3A_374, %dma_wait3A_448] : memref<64x64x1024xf32, #tpu.memory_space<hbm>> -> memref<1x32x1024xf32, #tpu.memory_space<hbm>>
    %dma_wait3A_450 = tpu.memref_squeeze %dma_wait3A_449 : memref<1x32x1024xf32, #tpu.memory_space<hbm>> -> memref<32x1024xf32, #tpu.memory_space<hbm>>
    %dma_wait3A_451 = arith.constant 0 : i32
    %dma_wait3A_452 = arith.constant 0 : i32
    %dma_wait3A_453 = tpu.memref_slice %arg7[%dma_wait3A_437, %dma_wait3A_451, %dma_wait3A_452] : memref<2x32x1024xf32, #tpu.memory_space<vmem>> -> memref<1x32x1024xf32, #tpu.memory_space<vmem>>
    %dma_wait3A_454 = tpu.memref_squeeze %dma_wait3A_453 : memref<1x32x1024xf32, #tpu.memory_space<vmem>> -> memref<32x1024xf32, #tpu.memory_space<vmem>>
    tpu.wait_dma2 semaphore(%dma_wait3A_447 : memref<!tpu.dma_semaphore, #tpu.memory_space<semaphore_mem>>) src(%dma_wait3A_454 : memref<32x1024xf32, #tpu.memory_space<vmem>>) dst(%dma_wait3A_450 : memref<32x1024xf32, #tpu.memory_space<hbm>>)
    %mul3A_455 = arith.constant 4 : i32
    %mul3A_456 = arith.muli %add3A, %mul3A_455 : i32
    %add3A_457 = arith.constant 3 : i32
    %add3A_458 = arith.addi %mul3A_456, %add3A_457 : i32
    %jit3A_459 = arith.constant 2 : i32
    %div3A_460 = arith.divsi %add3A_458, %jit3A_459 : i32
    %sign3A_461 = arith.constant 0 : i32
    %sign3A_462 = arith.cmpi sgt, %add3A_458, %sign3A_461 : i32
    %sign3A_463 = arith.extui %sign3A_462 : i1 to i32
    %sign3A_464 = arith.constant 0 : i32
    %sign3A_465 = arith.cmpi slt, %add3A_458, %sign3A_464 : i32
    %sign3A_466 = arith.extui %sign3A_465 : i1 to i32
    %sign3A_467 = arith.subi %sign3A_463, %sign3A_466 : i32
    %sign3A_468 = arith.constant 0 : i32
    %sign3A_469 = arith.cmpi sgt, %jit3A_459, %sign3A_468 : i32
    %sign3A_470 = arith.extui %sign3A_469 : i1 to i32
    %sign3A_471 = arith.constant 0 : i32
    %sign3A_472 = arith.cmpi slt, %jit3A_459, %sign3A_471 : i32
    %sign3A_473 = arith.extui %sign3A_472 : i1 to i32
    %sign3A_474 = arith.subi %sign3A_470, %sign3A_473 : i32
    %ne3A_475 = arith.cmpi ne, %sign3A_467, %sign3A_474 : i32
    %rem3A_476 = arith.remsi %add3A_458, %jit3A_459 : i32
    %ne3A_477 = arith.constant 0 : i32
    %ne3A_478 = arith.cmpi ne, %rem3A_476, %ne3A_477 : i32
    %and3A_479 = arith.andi %ne3A_475, %ne3A_478 : i1
    %sub3A_480 = arith.constant 1 : i32
    %sub3A_481 = arith.subi %div3A_460, %sub3A_480 : i32
    %select_n3A_482 = arith.select %and3A_479, %sub3A_481, %div3A_460 : i32
    %jit3A_483 = arith.constant 2 : i32
    %eq3A_484 = arith.constant 0 : i32
    %eq3A_485 = arith.cmpi eq, %jit3A_483, %eq3A_484 : i32
    %jit3A_486 = arith.constant 1 : i32
    %select_n3A_487 = arith.select %eq3A_485, %jit3A_486, %jit3A_483 : i32
    %rem3A_488 = arith.remsi %add3A_458, %select_n3A_487 : i32
    %ne3A_489 = arith.constant 0 : i32
    %ne3A_490 = arith.cmpi ne, %rem3A_488, %ne3A_489 : i32
    %lt3A_491 = arith.constant 0 : i32
    %lt3A_492 = arith.cmpi slt, %rem3A_488, %lt3A_491 : i32
    %lt3A_493 = arith.constant 0 : i32
    %lt3A_494 = arith.cmpi slt, %select_n3A_487, %lt3A_493 : i32
    %ne3A_495 = arith.xori %lt3A_492, %lt3A_494 : i1
    %and3A_496 = arith.andi %ne3A_495, %ne3A_490 : i1
    %add3A_497 = arith.addi %rem3A_488, %select_n3A_487 : i32
    %select_n3A_498 = arith.select %and3A_496, %add3A_497, %rem3A_488 : i32
    %mul3A_499 = arith.constant 32 : i32
    %mul3A_500 = arith.muli %select_n3A_498, %mul3A_499 : i32
    %dma_start3A_501 = arith.constant 1 : i32
    %dma_start3A_502 = arith.constant 1 : i32
    %dma_start3A_503 = arith.constant 0 : i32
    %dma_start3A_504 = arith.constant 0 : i32
    %dma_start3A_505 = tpu.memref_slice %arg7[%dma_start3A_501, %dma_start3A_503, %dma_start3A_504] : memref<2x32x1024xf32, #tpu.memory_space<vmem>> -> memref<1x32x1024xf32, #tpu.memory_space<vmem>>
    %dma_start3A_506 = tpu.memref_squeeze %dma_start3A_505 : memref<1x32x1024xf32, #tpu.memory_space<vmem>> -> memref<32x1024xf32, #tpu.memory_space<vmem>>
    %dma_start3A_507 = arith.constant 0 : i32
    %dma_start3A_508 = tpu.memref_slice %arg2[%select_n3A_482, %mul3A_500, %dma_start3A_507] : memref<64x64x1024xf32, #tpu.memory_space<hbm>> -> memref<1x32x1024xf32, #tpu.memory_space<hbm>>
    %dma_start3A_509 = tpu.memref_squeeze %dma_start3A_508 : memref<1x32x1024xf32, #tpu.memory_space<hbm>> -> memref<32x1024xf32, #tpu.memory_space<hbm>>
    %dma_start3A_510 = tpu.memref_slice %arg12[%dma_start3A_502] : memref<2x!tpu.dma_semaphore, #tpu.memory_space<semaphore_mem>> -> memref<1x!tpu.dma_semaphore, #tpu.memory_space<semaphore_mem>>
    %dma_start3A_511 = tpu.memref_squeeze %dma_start3A_510 : memref<1x!tpu.dma_semaphore, #tpu.memory_space<semaphore_mem>> -> memref<!tpu.dma_semaphore, #tpu.memory_space<semaphore_mem>>
    %dma_start3A_512 = arith.constant 0 : i32
    %dma_start3A_513 = arith.constant 0 : i32
    %dma_start3A_514 = tpu.memref_slice %arg7[%dma_start3A_501, %dma_start3A_512, %dma_start3A_513] : memref<2x32x1024xf32, #tpu.memory_space<vmem>> -> memref<1x32x1024xf32, #tpu.memory_space<vmem>>
    %dma_start3A_515 = tpu.memref_squeeze %dma_start3A_514 : memref<1x32x1024xf32, #tpu.memory_space<vmem>> -> memref<32x1024xf32, #tpu.memory_space<vmem>>
    %dma_start3A_516 = arith.constant 0 : i32
    %dma_start3A_517 = tpu.memref_slice %arg2[%select_n3A_482, %mul3A_500, %dma_start3A_516] : memref<64x64x1024xf32, #tpu.memory_space<hbm>> -> memref<1x32x1024xf32, #tpu.memory_space<hbm>>
    %dma_start3A_518 = tpu.memref_squeeze %dma_start3A_517 : memref<1x32x1024xf32, #tpu.memory_space<hbm>> -> memref<32x1024xf32, #tpu.memory_space<hbm>>
    tpu.enqueue_dma source(%dma_start3A_518 : memref<32x1024xf32, #tpu.memory_space<hbm>>) target(%dma_start3A_515 : memref<32x1024xf32, #tpu.memory_space<vmem>>) target_semaphore(%dma_start3A_511 : memref<!tpu.dma_semaphore, #tpu.memory_space<semaphore_mem>>)
    "tpu.region"() ({
      %run_scoped3A = tpu.sem_alloc : memref<!tpu.dma_semaphore, #tpu.memory_space<semaphore_mem>>
      %dma_start3A_703 = arith.constant 0 : i32
      %dma_start3A_704 = tpu.memref_slice %arg3[%select_n3A_420, %dma_start3A_703] : memref<64x1024xi32, #tpu.memory_space<hbm>> -> memref<1x1024xi32, #tpu.memory_space<hbm>>
      %dma_start3A_705 = tpu.memref_squeeze %dma_start3A_704 : memref<1x1024xi32, #tpu.memory_space<hbm>> -> memref<1024xi32, #tpu.memory_space<hbm>>
      %dma_start3A_706 = arith.constant 0 : i32
      %dma_start3A_707 = tpu.memref_slice %arg3[%select_n3A_420, %dma_start3A_706] : memref<64x1024xi32, #tpu.memory_space<hbm>> -> memref<1x1024xi32, #tpu.memory_space<hbm>>
      %dma_start3A_708 = tpu.memref_squeeze %dma_start3A_707 : memref<1x1024xi32, #tpu.memory_space<hbm>> -> memref<1024xi32, #tpu.memory_space<hbm>>
      tpu.enqueue_dma source(%dma_start3A_708 : memref<1024xi32, #tpu.memory_space<hbm>>) target(%arg8 : memref<1024xi32, #tpu.memory_space<vmem>>) target_semaphore(%run_scoped3A : memref<!tpu.dma_semaphore, #tpu.memory_space<semaphore_mem>>)
      %dma_wait3A_709 = arith.constant 0 : i32
      %dma_wait3A_710 = tpu.memref_slice %arg3[%select_n3A_420, %dma_wait3A_709] : memref<64x1024xi32, #tpu.memory_space<hbm>> -> memref<1x1024xi32, #tpu.memory_space<hbm>>
      %dma_wait3A_711 = tpu.memref_squeeze %dma_wait3A_710 : memref<1x1024xi32, #tpu.memory_space<hbm>> -> memref<1024xi32, #tpu.memory_space<hbm>>
      %dma_wait3A_712 = arith.constant 0 : i32
      %dma_wait3A_713 = tpu.memref_slice %arg3[%select_n3A_420, %dma_wait3A_712] : memref<64x1024xi32, #tpu.memory_space<hbm>> -> memref<1x1024xi32, #tpu.memory_space<hbm>>
      %dma_wait3A_714 = tpu.memref_squeeze %dma_wait3A_713 : memref<1x1024xi32, #tpu.memory_space<hbm>> -> memref<1024xi32, #tpu.memory_space<hbm>>
      tpu.wait_dma2 semaphore(%run_scoped3A : memref<!tpu.dma_semaphore, #tpu.memory_space<semaphore_mem>>) src(%dma_wait3A_714 : memref<1024xi32, #tpu.memory_space<hbm>>) dst(%arg8 : memref<1024xi32, #tpu.memory_space<vmem>>)
      tpu.yield
    }) : () -> ()
    %mul3A_519 = arith.constant 5 : i32
    %mul3A_520 = arith.muli %mul3A_519, %select_n3A_436 : i32
    %mul3A_521 = arith.constant 1024 : i32
    %mul3A_522 = arith.muli %select_n3A_436, %mul3A_521 : i32
    %parallel_loop3A_523 = arith.constant 0 : i32
    %parallel_loop3A_524 = arith.constant 64 : i32
    %parallel_loop3A_525 = arith.constant 1 : i32
    scf.for %parallel_loop3A_703 = %parallel_loop3A_523 to %parallel_loop3A_524 step %parallel_loop3A_525  : i32 {
      %parallel_loop3A_704 = arith.constant 16 : i32
      %parallel_loop3A_705 = arith.muli %parallel_loop3A_703, %parallel_loop3A_704 : i32
      %parallel_loop3A_706 = arith.index_cast %parallel_loop3A_705 : i32 to index
      %parallel_loop3A_707 = tpu.vector_load %arg8[%parallel_loop3A_706] {strides = array<i32>} : memref<1024xi32, #tpu.memory_space<vmem>>, vector<16xi32>,
      %parallel_loop3A_708 = vector.broadcast %mul3A_520 : i32 to vector<16xi32>
      %parallel_loop3A_709 = arith.shrui %parallel_loop3A_707, %parallel_loop3A_708 : vector<16xi32>
      %parallel_loop3A_710 = arith.constant 31 : i32
      %parallel_loop3A_711 = vector.broadcast %parallel_loop3A_710 : i32 to vector<16xi32>
      %parallel_loop3A_712 = arith.andi %parallel_loop3A_709, %parallel_loop3A_711 : vector<16xi32>
      %parallel_loop3A_713 = arith.constant 16 : i32
      %parallel_loop3A_714 = arith.muli %parallel_loop3A_703, %parallel_loop3A_713 : i32
      %parallel_loop3A_715 = arith.index_cast %parallel_loop3A_714 : i32 to index
      %parallel_loop3A_716 = tpu.vector_load %arg9[%parallel_loop3A_715] {strides = array<i32>} : memref<1024xi32, #tpu.memory_space<vmem>>, vector<16xi32>,
      tpu.vector_store %arg9[%parallel_loop3A_715], %parallel_loop3A_712 {strides = array<i32>} : memref<1024xi32, #tpu.memory_space<vmem>>, vector<16xi32>,
    } {sc.loop_unroll_factor = 8 : i64, sc.parallel_access}
    %dma_wait3A_526 = arith.constant 0 : i32
    %dma_wait3A_527 = arith.constant 0 : i32
    %dma_wait3A_528 = arith.constant 0 : i32
    %dma_wait3A_529 = arith.constant 0 : i32
    %dma_wait3A_530 = tpu.memref_slice %arg7[%dma_wait3A_526, %dma_wait3A_528, %dma_wait3A_529] : memref<2x32x1024xf32, #tpu.memory_space<vmem>> -> memref<1x32x1024xf32, #tpu.memory_space<vmem>>
    %dma_wait3A_531 = tpu.memref_squeeze %dma_wait3A_530 : memref<1x32x1024xf32, #tpu.memory_space<vmem>> -> memref<32x1024xf32, #tpu.memory_space<vmem>>
    %dma_wait3A_532 = arith.constant 0 : i32
    %dma_wait3A_533 = tpu.memref_slice %arg2[%select_n3A_304, %mul3A_322, %dma_wait3A_532] : memref<64x64x1024xf32, #tpu.memory_space<hbm>> -> memref<1x32x1024xf32, #tpu.memory_space<hbm>>
    %dma_wait3A_534 = tpu.memref_squeeze %dma_wait3A_533 : memref<1x32x1024xf32, #tpu.memory_space<hbm>> -> memref<32x1024xf32, #tpu.memory_space<hbm>>
    %dma_wait3A_535 = tpu.memref_slice %arg12[%dma_wait3A_527] : memref<2x!tpu.dma_semaphore, #tpu.memory_space<semaphore_mem>> -> memref<1x!tpu.dma_semaphore, #tpu.memory_space<semaphore_mem>>
    %dma_wait3A_536 = tpu.memref_squeeze %dma_wait3A_535 : memref<1x!tpu.dma_semaphore, #tpu.memory_space<semaphore_mem>> -> memref<!tpu.dma_semaphore, #tpu.memory_space<semaphore_mem>>
    %dma_wait3A_537 = arith.constant 0 : i32
    %dma_wait3A_538 = arith.constant 0 : i32
    %dma_wait3A_539 = tpu.memref_slice %arg7[%dma_wait3A_526, %dma_wait3A_537, %dma_wait3A_538] : memref<2x32x1024xf32, #tpu.memory_space<vmem>> -> memref<1x32x1024xf32, #tpu.memory_space<vmem>>
    %dma_wait3A_540 = tpu.memref_squeeze %dma_wait3A_539 : memref<1x32x1024xf32, #tpu.memory_space<vmem>> -> memref<32x1024xf32, #tpu.memory_space<vmem>>
    %dma_wait3A_541 = arith.constant 0 : i32
    %dma_wait3A_542 = tpu.memref_slice %arg2[%select_n3A_304, %mul3A_322, %dma_wait3A_541] : memref<64x64x1024xf32, #tpu.memory_space<hbm>> -> memref<1x32x1024xf32, #tpu.memory_space<hbm>>
    %dma_wait3A_543 = tpu.memref_squeeze %dma_wait3A_542 : memref<1x32x1024xf32, #tpu.memory_space<hbm>> -> memref<32x1024xf32, #tpu.memory_space<hbm>>
    tpu.wait_dma2 semaphore(%dma_wait3A_536 : memref<!tpu.dma_semaphore, #tpu.memory_space<semaphore_mem>>) src(%dma_wait3A_543 : memref<32x1024xf32, #tpu.memory_space<hbm>>) dst(%dma_wait3A_540 : memref<32x1024xf32, #tpu.memory_space<vmem>>)
    %scan3A_544 = arith.constant 0 : i32
    %scan3A_545 = arith.constant 0 : i32
    %scan3A_546 = arith.constant 32 : i32
    %scan3A_547 = arith.addi %scan3A_545, %scan3A_546 : i32
    %scan3A_548 = arith.constant 1 : i32
    %scan3A_549 = scf.for %scan3A_703 = %scan3A_545 to %scan3A_547 step %scan3A_548 iter_args(%scan3A_704 = %scan3A_544) -> (i32)  : i32 {
      %mul3A_705 = arith.constant 32 : i32
      %mul3A_706 = arith.muli %scan3A_703, %mul3A_705 : i32
      %add3A_707 = arith.addi %mul3A_522, %mul3A_706 : i32
      %parallel_loop3A_708 = arith.constant 0 : i32
      %parallel_loop3A_709 = arith.constant 64 : i32
      %parallel_loop3A_710 = arith.constant 1 : i32
      scf.for %parallel_loop3A_712 = %parallel_loop3A_708 to %parallel_loop3A_709 step %parallel_loop3A_710  : i32 {
        %parallel_loop3A_713 = arith.constant 16 : i32
        %parallel_loop3A_714 = arith.muli %parallel_loop3A_712, %parallel_loop3A_713 : i32
        %parallel_loop3A_715 = arith.index_cast %parallel_loop3A_714 : i32 to index
        %parallel_loop3A_716 = tpu.vector_load %arg9[%parallel_loop3A_715] {strides = array<i32>} : memref<1024xi32, #tpu.memory_space<vmem>>, vector<16xi32>,
        %parallel_loop3A_717 = vector.broadcast %add3A_707 : i32 to vector<16xi32>
        %parallel_loop3A_718 = arith.addi %parallel_loop3A_716, %parallel_loop3A_717 : vector<16xi32>
        %parallel_loop3A_719 = tpu.vector_load_idx %arg10[%parallel_loop3A_718] : memref<2048xf32, #tpu.memory_space<vmem>>[vector<16xi32>], vector<16xf32>,
        %parallel_loop3A_720 = arith.constant 0 : i32
        %parallel_loop3A_721 = arith.index_cast %parallel_loop3A_720 : i32 to index
        %parallel_loop3A_722 = arith.index_cast %scan3A_703 : i32 to index
        %parallel_loop3A_723 = arith.index_cast %parallel_loop3A_714 : i32 to index
        %parallel_loop3A_724 = tpu.vector_load %arg7[%parallel_loop3A_721, %parallel_loop3A_722, %parallel_loop3A_723] {strides = array<i32>} : memref<2x32x1024xf32, #tpu.memory_space<vmem>>, vector<16xf32>,
        %parallel_loop3A_725 = arith.mulf %get3A_1, %parallel_loop3A_724 : vector<16xf32>
        %parallel_loop3A_726 = arith.mulf %sub3A_3, %parallel_loop3A_719 : vector<16xf32>
        %parallel_loop3A_727 = arith.addf %parallel_loop3A_725, %parallel_loop3A_726 : vector<16xf32>
        %parallel_loop3A_728 = arith.constant 0 : i32
        %parallel_loop3A_729 = arith.index_cast %parallel_loop3A_728 : i32 to index
        %parallel_loop3A_730 = arith.index_cast %scan3A_703 : i32 to index
        %parallel_loop3A_731 = arith.index_cast %parallel_loop3A_714 : i32 to index
        %parallel_loop3A_732 = tpu.vector_load %arg7[%parallel_loop3A_729, %parallel_loop3A_730, %parallel_loop3A_731] {strides = array<i32>} : memref<2x32x1024xf32, #tpu.memory_space<vmem>>, vector<16xf32>,
        tpu.vector_store %arg7[%parallel_loop3A_729, %parallel_loop3A_730, %parallel_loop3A_731], %parallel_loop3A_727 {strides = array<i32>} : memref<2x32x1024xf32, #tpu.memory_space<vmem>>, vector<16xf32>,
      } {sc.loop_unroll_factor = 8 : i64, sc.parallel_access}
      %scan3A_711 = arith.constant 0 : i32
      scf.yield %scan3A_711 : i32
    }
    %scan3A_550 = arith.constant 32 : i32
    %mul3A_551 = arith.constant 32 : i32
    %mul3A_552 = arith.muli %select_n3A_436, %mul3A_551 : i32
    %dma_start3A_553 = arith.constant 0 : i32
    %dma_start3A_554 = arith.constant 0 : i32
    %dma_start3A_555 = arith.constant 0 : i32
    %dma_start3A_556 = arith.constant 0 : i32
    %dma_start3A_557 = tpu.memref_slice %arg7[%dma_start3A_553, %dma_start3A_555, %dma_start3A_556] : memref<2x32x1024xf32, #tpu.memory_space<vmem>> -> memref<1x32x1024xf32, #tpu.memory_space<vmem>>
    %dma_start3A_558 = tpu.memref_squeeze %dma_start3A_557 : memref<1x32x1024xf32, #tpu.memory_space<vmem>> -> memref<32x1024xf32, #tpu.memory_space<vmem>>
    %dma_start3A_559 = arith.constant 0 : i32
    %dma_start3A_560 = tpu.memref_slice %arg6[%select_n3A_420, %mul3A_552, %dma_start3A_559] : memref<64x64x1024xf32, #tpu.memory_space<hbm>> -> memref<1x32x1024xf32, #tpu.memory_space<hbm>>
    %dma_start3A_561 = tpu.memref_squeeze %dma_start3A_560 : memref<1x32x1024xf32, #tpu.memory_space<hbm>> -> memref<32x1024xf32, #tpu.memory_space<hbm>>
    %dma_start3A_562 = tpu.memref_slice %arg13[%dma_start3A_554] : memref<2x!tpu.dma_semaphore, #tpu.memory_space<semaphore_mem>> -> memref<1x!tpu.dma_semaphore, #tpu.memory_space<semaphore_mem>>
    %dma_start3A_563 = tpu.memref_squeeze %dma_start3A_562 : memref<1x!tpu.dma_semaphore, #tpu.memory_space<semaphore_mem>> -> memref<!tpu.dma_semaphore, #tpu.memory_space<semaphore_mem>>
    %dma_start3A_564 = arith.constant 0 : i32
    %dma_start3A_565 = tpu.memref_slice %arg6[%select_n3A_420, %mul3A_552, %dma_start3A_564] : memref<64x64x1024xf32, #tpu.memory_space<hbm>> -> memref<1x32x1024xf32, #tpu.memory_space<hbm>>
    %dma_start3A_566 = tpu.memref_squeeze %dma_start3A_565 : memref<1x32x1024xf32, #tpu.memory_space<hbm>> -> memref<32x1024xf32, #tpu.memory_space<hbm>>
    %dma_start3A_567 = arith.constant 0 : i32
    %dma_start3A_568 = arith.constant 0 : i32
    %dma_start3A_569 = tpu.memref_slice %arg7[%dma_start3A_553, %dma_start3A_567, %dma_start3A_568] : memref<2x32x1024xf32, #tpu.memory_space<vmem>> -> memref<1x32x1024xf32, #tpu.memory_space<vmem>>
    %dma_start3A_570 = tpu.memref_squeeze %dma_start3A_569 : memref<1x32x1024xf32, #tpu.memory_space<vmem>> -> memref<32x1024xf32, #tpu.memory_space<vmem>>
    tpu.enqueue_dma source(%dma_start3A_570 : memref<32x1024xf32, #tpu.memory_space<vmem>>) target(%dma_start3A_566 : memref<32x1024xf32, #tpu.memory_space<hbm>>) target_semaphore(%dma_start3A_563 : memref<!tpu.dma_semaphore, #tpu.memory_space<semaphore_mem>>)
    %mul3A_571 = arith.constant 4 : i32
    %mul3A_572 = arith.muli %add3A, %mul3A_571 : i32
    %add3A_573 = arith.constant 3 : i32
    %add3A_574 = arith.addi %mul3A_572, %add3A_573 : i32
    %jit3A_575 = arith.constant 2 : i32
    %div3A_576 = arith.divsi %add3A_574, %jit3A_575 : i32
    %sign3A_577 = arith.constant 0 : i32
    %sign3A_578 = arith.cmpi sgt, %add3A_574, %sign3A_577 : i32
    %sign3A_579 = arith.extui %sign3A_578 : i1 to i32
    %sign3A_580 = arith.constant 0 : i32
    %sign3A_581 = arith.cmpi slt, %add3A_574, %sign3A_580 : i32
    %sign3A_582 = arith.extui %sign3A_581 : i1 to i32
    %sign3A_583 = arith.subi %sign3A_579, %sign3A_582 : i32
    %sign3A_584 = arith.constant 0 : i32
    %sign3A_585 = arith.cmpi sgt, %jit3A_575, %sign3A_584 : i32
    %sign3A_586 = arith.extui %sign3A_585 : i1 to i32
    %sign3A_587 = arith.constant 0 : i32
    %sign3A_588 = arith.cmpi slt, %jit3A_575, %sign3A_587 : i32
    %sign3A_589 = arith.extui %sign3A_588 : i1 to i32
    %sign3A_590 = arith.subi %sign3A_586, %sign3A_589 : i32
    %ne3A_591 = arith.cmpi ne, %sign3A_583, %sign3A_590 : i32
    %rem3A_592 = arith.remsi %add3A_574, %jit3A_575 : i32
    %ne3A_593 = arith.constant 0 : i32
    %ne3A_594 = arith.cmpi ne, %rem3A_592, %ne3A_593 : i32
    %and3A_595 = arith.andi %ne3A_591, %ne3A_594 : i1
    %sub3A_596 = arith.constant 1 : i32
    %sub3A_597 = arith.subi %div3A_576, %sub3A_596 : i32
    %select_n3A_598 = arith.select %and3A_595, %sub3A_597, %div3A_576 : i32
    %jit3A_599 = arith.constant 2 : i32
    %eq3A_600 = arith.constant 0 : i32
    %eq3A_601 = arith.cmpi eq, %jit3A_599, %eq3A_600 : i32
    %jit3A_602 = arith.constant 1 : i32
    %select_n3A_603 = arith.select %eq3A_601, %jit3A_602, %jit3A_599 : i32
    %rem3A_604 = arith.remsi %add3A_574, %select_n3A_603 : i32
    %ne3A_605 = arith.constant 0 : i32
    %ne3A_606 = arith.cmpi ne, %rem3A_604, %ne3A_605 : i32
    %lt3A_607 = arith.constant 0 : i32
    %lt3A_608 = arith.cmpi slt, %rem3A_604, %lt3A_607 : i32
    %lt3A_609 = arith.constant 0 : i32
    %lt3A_610 = arith.cmpi slt, %select_n3A_603, %lt3A_609 : i32
    %ne3A_611 = arith.xori %lt3A_608, %lt3A_610 : i1
    %and3A_612 = arith.andi %ne3A_611, %ne3A_606 : i1
    %add3A_613 = arith.addi %rem3A_604, %select_n3A_603 : i32
    %select_n3A_614 = arith.select %and3A_612, %add3A_613, %rem3A_604 : i32
    "tpu.region"() ({
      %run_scoped3A = tpu.sem_alloc : memref<!tpu.dma_semaphore, #tpu.memory_space<semaphore_mem>>
      %dma_start3A_703 = arith.constant 0 : i32
      %dma_start3A_704 = tpu.memref_slice %arg3[%select_n3A_598, %dma_start3A_703] : memref<64x1024xi32, #tpu.memory_space<hbm>> -> memref<1x1024xi32, #tpu.memory_space<hbm>>
      %dma_start3A_705 = tpu.memref_squeeze %dma_start3A_704 : memref<1x1024xi32, #tpu.memory_space<hbm>> -> memref<1024xi32, #tpu.memory_space<hbm>>
      %dma_start3A_706 = arith.constant 0 : i32
      %dma_start3A_707 = tpu.memref_slice %arg3[%select_n3A_598, %dma_start3A_706] : memref<64x1024xi32, #tpu.memory_space<hbm>> -> memref<1x1024xi32, #tpu.memory_space<hbm>>
      %dma_start3A_708 = tpu.memref_squeeze %dma_start3A_707 : memref<1x1024xi32, #tpu.memory_space<hbm>> -> memref<1024xi32, #tpu.memory_space<hbm>>
      tpu.enqueue_dma source(%dma_start3A_708 : memref<1024xi32, #tpu.memory_space<hbm>>) target(%arg8 : memref<1024xi32, #tpu.memory_space<vmem>>) target_semaphore(%run_scoped3A : memref<!tpu.dma_semaphore, #tpu.memory_space<semaphore_mem>>)
      %dma_wait3A_709 = arith.constant 0 : i32
      %dma_wait3A_710 = tpu.memref_slice %arg3[%select_n3A_598, %dma_wait3A_709] : memref<64x1024xi32, #tpu.memory_space<hbm>> -> memref<1x1024xi32, #tpu.memory_space<hbm>>
      %dma_wait3A_711 = tpu.memref_squeeze %dma_wait3A_710 : memref<1x1024xi32, #tpu.memory_space<hbm>> -> memref<1024xi32, #tpu.memory_space<hbm>>
      %dma_wait3A_712 = arith.constant 0 : i32
      %dma_wait3A_713 = tpu.memref_slice %arg3[%select_n3A_598, %dma_wait3A_712] : memref<64x1024xi32, #tpu.memory_space<hbm>> -> memref<1x1024xi32, #tpu.memory_space<hbm>>
      %dma_wait3A_714 = tpu.memref_squeeze %dma_wait3A_713 : memref<1x1024xi32, #tpu.memory_space<hbm>> -> memref<1024xi32, #tpu.memory_space<hbm>>
      tpu.wait_dma2 semaphore(%run_scoped3A : memref<!tpu.dma_semaphore, #tpu.memory_space<semaphore_mem>>) src(%dma_wait3A_714 : memref<1024xi32, #tpu.memory_space<hbm>>) dst(%arg8 : memref<1024xi32, #tpu.memory_space<vmem>>)
      tpu.yield
    }) : () -> ()
    %mul3A_615 = arith.constant 5 : i32
    %mul3A_616 = arith.muli %mul3A_615, %select_n3A_614 : i32
    %mul3A_617 = arith.constant 1024 : i32
    %mul3A_618 = arith.muli %select_n3A_614, %mul3A_617 : i32
    %parallel_loop3A_619 = arith.constant 0 : i32
    %parallel_loop3A_620 = arith.constant 64 : i32
    %parallel_loop3A_621 = arith.constant 1 : i32
    scf.for %parallel_loop3A_703 = %parallel_loop3A_619 to %parallel_loop3A_620 step %parallel_loop3A_621  : i32 {
      %parallel_loop3A_704 = arith.constant 16 : i32
      %parallel_loop3A_705 = arith.muli %parallel_loop3A_703, %parallel_loop3A_704 : i32
      %parallel_loop3A_706 = arith.index_cast %parallel_loop3A_705 : i32 to index
      %parallel_loop3A_707 = tpu.vector_load %arg8[%parallel_loop3A_706] {strides = array<i32>} : memref<1024xi32, #tpu.memory_space<vmem>>, vector<16xi32>,
      %parallel_loop3A_708 = vector.broadcast %mul3A_616 : i32 to vector<16xi32>
      %parallel_loop3A_709 = arith.shrui %parallel_loop3A_707, %parallel_loop3A_708 : vector<16xi32>
      %parallel_loop3A_710 = arith.constant 31 : i32
      %parallel_loop3A_711 = vector.broadcast %parallel_loop3A_710 : i32 to vector<16xi32>
      %parallel_loop3A_712 = arith.andi %parallel_loop3A_709, %parallel_loop3A_711 : vector<16xi32>
      %parallel_loop3A_713 = arith.constant 16 : i32
      %parallel_loop3A_714 = arith.muli %parallel_loop3A_703, %parallel_loop3A_713 : i32
      %parallel_loop3A_715 = arith.index_cast %parallel_loop3A_714 : i32 to index
      %parallel_loop3A_716 = tpu.vector_load %arg9[%parallel_loop3A_715] {strides = array<i32>} : memref<1024xi32, #tpu.memory_space<vmem>>, vector<16xi32>,
      tpu.vector_store %arg9[%parallel_loop3A_715], %parallel_loop3A_712 {strides = array<i32>} : memref<1024xi32, #tpu.memory_space<vmem>>, vector<16xi32>,
    } {sc.loop_unroll_factor = 8 : i64, sc.parallel_access}
    %dma_wait3A_622 = arith.constant 1 : i32
    %dma_wait3A_623 = arith.constant 1 : i32
    %dma_wait3A_624 = arith.constant 0 : i32
    %dma_wait3A_625 = arith.constant 0 : i32
    %dma_wait3A_626 = tpu.memref_slice %arg7[%dma_wait3A_622, %dma_wait3A_624, %dma_wait3A_625] : memref<2x32x1024xf32, #tpu.memory_space<vmem>> -> memref<1x32x1024xf32, #tpu.memory_space<vmem>>
    %dma_wait3A_627 = tpu.memref_squeeze %dma_wait3A_626 : memref<1x32x1024xf32, #tpu.memory_space<vmem>> -> memref<32x1024xf32, #tpu.memory_space<vmem>>
    %dma_wait3A_628 = arith.constant 0 : i32
    %dma_wait3A_629 = tpu.memref_slice %arg2[%select_n3A_482, %mul3A_500, %dma_wait3A_628] : memref<64x64x1024xf32, #tpu.memory_space<hbm>> -> memref<1x32x1024xf32, #tpu.memory_space<hbm>>
    %dma_wait3A_630 = tpu.memref_squeeze %dma_wait3A_629 : memref<1x32x1024xf32, #tpu.memory_space<hbm>> -> memref<32x1024xf32, #tpu.memory_space<hbm>>
    %dma_wait3A_631 = tpu.memref_slice %arg12[%dma_wait3A_623] : memref<2x!tpu.dma_semaphore, #tpu.memory_space<semaphore_mem>> -> memref<1x!tpu.dma_semaphore, #tpu.memory_space<semaphore_mem>>
    %dma_wait3A_632 = tpu.memref_squeeze %dma_wait3A_631 : memref<1x!tpu.dma_semaphore, #tpu.memory_space<semaphore_mem>> -> memref<!tpu.dma_semaphore, #tpu.memory_space<semaphore_mem>>
    %dma_wait3A_633 = arith.constant 0 : i32
    %dma_wait3A_634 = arith.constant 0 : i32
    %dma_wait3A_635 = tpu.memref_slice %arg7[%dma_wait3A_622, %dma_wait3A_633, %dma_wait3A_634] : memref<2x32x1024xf32, #tpu.memory_space<vmem>> -> memref<1x32x1024xf32, #tpu.memory_space<vmem>>
    %dma_wait3A_636 = tpu.memref_squeeze %dma_wait3A_635 : memref<1x32x1024xf32, #tpu.memory_space<vmem>> -> memref<32x1024xf32, #tpu.memory_space<vmem>>
    %dma_wait3A_637 = arith.constant 0 : i32
    %dma_wait3A_638 = tpu.memref_slice %arg2[%select_n3A_482, %mul3A_500, %dma_wait3A_637] : memref<64x64x1024xf32, #tpu.memory_space<hbm>> -> memref<1x32x1024xf32, #tpu.memory_space<hbm>>
    %dma_wait3A_639 = tpu.memref_squeeze %dma_wait3A_638 : memref<1x32x1024xf32, #tpu.memory_space<hbm>> -> memref<32x1024xf32, #tpu.memory_space<hbm>>
    tpu.wait_dma2 semaphore(%dma_wait3A_632 : memref<!tpu.dma_semaphore, #tpu.memory_space<semaphore_mem>>) src(%dma_wait3A_639 : memref<32x1024xf32, #tpu.memory_space<hbm>>) dst(%dma_wait3A_636 : memref<32x1024xf32, #tpu.memory_space<vmem>>)
    %scan3A_640 = arith.constant 0 : i32
    %scan3A_641 = arith.constant 0 : i32
    %scan3A_642 = arith.constant 32 : i32
    %scan3A_643 = arith.addi %scan3A_641, %scan3A_642 : i32
    %scan3A_644 = arith.constant 1 : i32
    %scan3A_645 = scf.for %scan3A_703 = %scan3A_641 to %scan3A_643 step %scan3A_644 iter_args(%scan3A_704 = %scan3A_640) -> (i32)  : i32 {
      %mul3A_705 = arith.constant 32 : i32
      %mul3A_706 = arith.muli %scan3A_703, %mul3A_705 : i32
      %add3A_707 = arith.addi %mul3A_618, %mul3A_706 : i32
      %parallel_loop3A_708 = arith.constant 0 : i32
      %parallel_loop3A_709 = arith.constant 64 : i32
      %parallel_loop3A_710 = arith.constant 1 : i32
      scf.for %parallel_loop3A_712 = %parallel_loop3A_708 to %parallel_loop3A_709 step %parallel_loop3A_710  : i32 {
        %parallel_loop3A_713 = arith.constant 16 : i32
        %parallel_loop3A_714 = arith.muli %parallel_loop3A_712, %parallel_loop3A_713 : i32
        %parallel_loop3A_715 = arith.index_cast %parallel_loop3A_714 : i32 to index
        %parallel_loop3A_716 = tpu.vector_load %arg9[%parallel_loop3A_715] {strides = array<i32>} : memref<1024xi32, #tpu.memory_space<vmem>>, vector<16xi32>,
        %parallel_loop3A_717 = vector.broadcast %add3A_707 : i32 to vector<16xi32>
        %parallel_loop3A_718 = arith.addi %parallel_loop3A_716, %parallel_loop3A_717 : vector<16xi32>
        %parallel_loop3A_719 = tpu.vector_load_idx %arg10[%parallel_loop3A_718] : memref<2048xf32, #tpu.memory_space<vmem>>[vector<16xi32>], vector<16xf32>,
        %parallel_loop3A_720 = arith.constant 1 : i32
        %parallel_loop3A_721 = arith.index_cast %parallel_loop3A_720 : i32 to index
        %parallel_loop3A_722 = arith.index_cast %scan3A_703 : i32 to index
        %parallel_loop3A_723 = arith.index_cast %parallel_loop3A_714 : i32 to index
        %parallel_loop3A_724 = tpu.vector_load %arg7[%parallel_loop3A_721, %parallel_loop3A_722, %parallel_loop3A_723] {strides = array<i32>} : memref<2x32x1024xf32, #tpu.memory_space<vmem>>, vector<16xf32>,
        %parallel_loop3A_725 = arith.mulf %get3A_1, %parallel_loop3A_724 : vector<16xf32>
        %parallel_loop3A_726 = arith.mulf %sub3A_3, %parallel_loop3A_719 : vector<16xf32>
        %parallel_loop3A_727 = arith.addf %parallel_loop3A_725, %parallel_loop3A_726 : vector<16xf32>
        %parallel_loop3A_728 = arith.constant 1 : i32
        %parallel_loop3A_729 = arith.index_cast %parallel_loop3A_728 : i32 to index
        %parallel_loop3A_730 = arith.index_cast %scan3A_703 : i32 to index
        %parallel_loop3A_731 = arith.index_cast %parallel_loop3A_714 : i32 to index
        %parallel_loop3A_732 = tpu.vector_load %arg7[%parallel_loop3A_729, %parallel_loop3A_730, %parallel_loop3A_731] {strides = array<i32>} : memref<2x32x1024xf32, #tpu.memory_space<vmem>>, vector<16xf32>,
        tpu.vector_store %arg7[%parallel_loop3A_729, %parallel_loop3A_730, %parallel_loop3A_731], %parallel_loop3A_727 {strides = array<i32>} : memref<2x32x1024xf32, #tpu.memory_space<vmem>>, vector<16xf32>,
      } {sc.loop_unroll_factor = 8 : i64, sc.parallel_access}
      %scan3A_711 = arith.constant 0 : i32
      scf.yield %scan3A_711 : i32
    }
    %scan3A_646 = arith.constant 32 : i32
    %mul3A_647 = arith.constant 32 : i32
    %mul3A_648 = arith.muli %select_n3A_614, %mul3A_647 : i32
    %dma_start3A_649 = arith.constant 1 : i32
    %dma_start3A_650 = arith.constant 1 : i32
    %dma_start3A_651 = arith.constant 0 : i32
    %dma_start3A_652 = arith.constant 0 : i32
    %dma_start3A_653 = tpu.memref_slice %arg7[%dma_start3A_649, %dma_start3A_651, %dma_start3A_652] : memref<2x32x1024xf32, #tpu.memory_space<vmem>> -> memref<1x32x1024xf32, #tpu.memory_space<vmem>>
    %dma_start3A_654 = tpu.memref_squeeze %dma_start3A_653 : memref<1x32x1024xf32, #tpu.memory_space<vmem>> -> memref<32x1024xf32, #tpu.memory_space<vmem>>
    %dma_start3A_655 = arith.constant 0 : i32
    %dma_start3A_656 = tpu.memref_slice %arg6[%select_n3A_598, %mul3A_648, %dma_start3A_655] : memref<64x64x1024xf32, #tpu.memory_space<hbm>> -> memref<1x32x1024xf32, #tpu.memory_space<hbm>>
    %dma_start3A_657 = tpu.memref_squeeze %dma_start3A_656 : memref<1x32x1024xf32, #tpu.memory_space<hbm>> -> memref<32x1024xf32, #tpu.memory_space<hbm>>
    %dma_start3A_658 = tpu.memref_slice %arg13[%dma_start3A_650] : memref<2x!tpu.dma_semaphore, #tpu.memory_space<semaphore_mem>> -> memref<1x!tpu.dma_semaphore, #tpu.memory_space<semaphore_mem>>
    %dma_start3A_659 = tpu.memref_squeeze %dma_start3A_658 : memref<1x!tpu.dma_semaphore, #tpu.memory_space<semaphore_mem>> -> memref<!tpu.dma_semaphore, #tpu.memory_space<semaphore_mem>>
    %dma_start3A_660 = arith.constant 0 : i32
    %dma_start3A_661 = tpu.memref_slice %arg6[%select_n3A_598, %mul3A_648, %dma_start3A_660] : memref<64x64x1024xf32, #tpu.memory_space<hbm>> -> memref<1x32x1024xf32, #tpu.memory_space<hbm>>
    %dma_start3A_662 = tpu.memref_squeeze %dma_start3A_661 : memref<1x32x1024xf32, #tpu.memory_space<hbm>> -> memref<32x1024xf32, #tpu.memory_space<hbm>>
    %dma_start3A_663 = arith.constant 0 : i32
    %dma_start3A_664 = arith.constant 0 : i32
    %dma_start3A_665 = tpu.memref_slice %arg7[%dma_start3A_649, %dma_start3A_663, %dma_start3A_664] : memref<2x32x1024xf32, #tpu.memory_space<vmem>> -> memref<1x32x1024xf32, #tpu.memory_space<vmem>>
    %dma_start3A_666 = tpu.memref_squeeze %dma_start3A_665 : memref<1x32x1024xf32, #tpu.memory_space<vmem>> -> memref<32x1024xf32, #tpu.memory_space<vmem>>
    tpu.enqueue_dma source(%dma_start3A_666 : memref<32x1024xf32, #tpu.memory_space<vmem>>) target(%dma_start3A_662 : memref<32x1024xf32, #tpu.memory_space<hbm>>) target_semaphore(%dma_start3A_659 : memref<!tpu.dma_semaphore, #tpu.memory_space<semaphore_mem>>)
    %dma_wait3A_667 = arith.constant 0 : i32
    %dma_wait3A_668 = arith.constant 0 : i32
    %dma_wait3A_669 = arith.constant 0 : i32
    %dma_wait3A_670 = arith.constant 0 : i32
    %dma_wait3A_671 = tpu.memref_slice %arg7[%dma_wait3A_667, %dma_wait3A_669, %dma_wait3A_670] : memref<2x32x1024xf32, #tpu.memory_space<vmem>> -> memref<1x32x1024xf32, #tpu.memory_space<vmem>>
    %dma_wait3A_672 = tpu.memref_squeeze %dma_wait3A_671 : memref<1x32x1024xf32, #tpu.memory_space<vmem>> -> memref<32x1024xf32, #tpu.memory_space<vmem>>
    %dma_wait3A_673 = arith.constant 0 : i32
    %dma_wait3A_674 = tpu.memref_slice %arg6[%select_n3A_420, %mul3A_552, %dma_wait3A_673] : memref<64x64x1024xf32, #tpu.memory_space<hbm>> -> memref<1x32x1024xf32, #tpu.memory_space<hbm>>
    %dma_wait3A_675 = tpu.memref_squeeze %dma_wait3A_674 : memref<1x32x1024xf32, #tpu.memory_space<hbm>> -> memref<32x1024xf32, #tpu.memory_space<hbm>>
    %dma_wait3A_676 = tpu.memref_slice %arg13[%dma_wait3A_668] : memref<2x!tpu.dma_semaphore, #tpu.memory_space<semaphore_mem>> -> memref<1x!tpu.dma_semaphore, #tpu.memory_space<semaphore_mem>>
    %dma_wait3A_677 = tpu.memref_squeeze %dma_wait3A_676 : memref<1x!tpu.dma_semaphore, #tpu.memory_space<semaphore_mem>> -> memref<!tpu.dma_semaphore, #tpu.memory_space<semaphore_mem>>
    %dma_wait3A_678 = arith.constant 0 : i32
    %dma_wait3A_679 = tpu.memref_slice %arg6[%select_n3A_420, %mul3A_552, %dma_wait3A_678] : memref<64x64x1024xf32, #tpu.memory_space<hbm>> -> memref<1x32x1024xf32, #tpu.memory_space<hbm>>
    %dma_wait3A_680 = tpu.memref_squeeze %dma_wait3A_679 : memref<1x32x1024xf32, #tpu.memory_space<hbm>> -> memref<32x1024xf32, #tpu.memory_space<hbm>>
    %dma_wait3A_681 = arith.constant 0 : i32
    %dma_wait3A_682 = arith.constant 0 : i32
    %dma_wait3A_683 = tpu.memref_slice %arg7[%dma_wait3A_667, %dma_wait3A_681, %dma_wait3A_682] : memref<2x32x1024xf32, #tpu.memory_space<vmem>> -> memref<1x32x1024xf32, #tpu.memory_space<vmem>>
    %dma_wait3A_684 = tpu.memref_squeeze %dma_wait3A_683 : memref<1x32x1024xf32, #tpu.memory_space<vmem>> -> memref<32x1024xf32, #tpu.memory_space<vmem>>
    tpu.wait_dma2 semaphore(%dma_wait3A_677 : memref<!tpu.dma_semaphore, #tpu.memory_space<semaphore_mem>>) src(%dma_wait3A_684 : memref<32x1024xf32, #tpu.memory_space<vmem>>) dst(%dma_wait3A_680 : memref<32x1024xf32, #tpu.memory_space<hbm>>)
    %dma_wait3A_685 = arith.constant 1 : i32
    %dma_wait3A_686 = arith.constant 1 : i32
    %dma_wait3A_687 = arith.constant 0 : i32
    %dma_wait3A_688 = arith.constant 0 : i32
    %dma_wait3A_689 = tpu.memref_slice %arg7[%dma_wait3A_685, %dma_wait3A_687, %dma_wait3A_688] : memref<2x32x1024xf32, #tpu.memory_space<vmem>> -> memref<1x32x1024xf32, #tpu.memory_space<vmem>>
    %dma_wait3A_690 = tpu.memref_squeeze %dma_wait3A_689 : memref<1x32x1024xf32, #tpu.memory_space<vmem>> -> memref<32x1024xf32, #tpu.memory_space<vmem>>
    %dma_wait3A_691 = arith.constant 0 : i32
    %dma_wait3A_692 = tpu.memref_slice %arg6[%select_n3A_598, %mul3A_648, %dma_wait3A_691] : memref<64x64x1024xf32, #tpu.memory_space<hbm>> -> memref<1x32x1024xf32, #tpu.memory_space<hbm>>
    %dma_wait3A_693 = tpu.memref_squeeze %dma_wait3A_692 : memref<1x32x1024xf32, #tpu.memory_space<hbm>> -> memref<32x1024xf32, #tpu.memory_space<hbm>>
    %dma_wait3A_694 = tpu.memref_slice %arg13[%dma_wait3A_686] : memref<2x!tpu.dma_semaphore, #tpu.memory_space<semaphore_mem>> -> memref<1x!tpu.dma_semaphore, #tpu.memory_space<semaphore_mem>>
    %dma_wait3A_695 = tpu.memref_squeeze %dma_wait3A_694 : memref<1x!tpu.dma_semaphore, #tpu.memory_space<semaphore_mem>> -> memref<!tpu.dma_semaphore, #tpu.memory_space<semaphore_mem>>
    %dma_wait3A_696 = arith.constant 0 : i32
    %dma_wait3A_697 = tpu.memref_slice %arg6[%select_n3A_598, %mul3A_648, %dma_wait3A_696] : memref<64x64x1024xf32, #tpu.memory_space<hbm>> -> memref<1x32x1024xf32, #tpu.memory_space<hbm>>
    %dma_wait3A_698 = tpu.memref_squeeze %dma_wait3A_697 : memref<1x32x1024xf32, #tpu.memory_space<hbm>> -> memref<32x1024xf32, #tpu.memory_space<hbm>>
    %dma_wait3A_699 = arith.constant 0 : i32
    %dma_wait3A_700 = arith.constant 0 : i32
    %dma_wait3A_701 = tpu.memref_slice %arg7[%dma_wait3A_685, %dma_wait3A_699, %dma_wait3A_700] : memref<2x32x1024xf32, #tpu.memory_space<vmem>> -> memref<1x32x1024xf32, #tpu.memory_space<vmem>>
    %dma_wait3A_702 = tpu.memref_squeeze %dma_wait3A_701 : memref<1x32x1024xf32, #tpu.memory_space<vmem>> -> memref<32x1024xf32, #tpu.memory_space<vmem>>
    tpu.wait_dma2 semaphore(%dma_wait3A_695 : memref<!tpu.dma_semaphore, #tpu.memory_space<semaphore_mem>>) src(%dma_wait3A_702 : memref<32x1024xf32, #tpu.memory_space<vmem>>) dst(%dma_wait3A_698 : memref<32x1024xf32, #tpu.memory_space<hbm>>)
    return
  }
}

module attributes {stable_mosaic.version = 14 : i64} {
  func.func @_code_body(%arg0: i32, %arg1: memref<8x64x1024xf32, #tpu.memory_space<vmem>>, %arg2: memref<2x32x32xf32, #tpu.memory_space<vmem>>, %arg3: memref<8x1024xi32, #tpu.memory_space<vmem>>) attributes {dimension_semantics = [#tpu.dimension_semantics<arbitrary>], iteration_bounds = array<i64: 8>, scalar_prefetch = 0 : i64, scratch_operands = 0 : i64, tpu.core_type = #tpu.core_type<tc>, window_params = [{transform_indices = @transform_0, window_bounds = array<i64: 8, 64, 1024>}, {pipeline_mode = #tpu.pipeline_mode<synchronous>, transform_indices = @transform_1, window_bounds = array<i64: 2, 32, 32>}, {transform_indices = @transform_2, window_bounds = array<i64: 8, 1024>}]} {
    %iota3A = tpu.iota {dimensions = array<i32: 0>} : vector<32x1024xi32>
    %get3A = arith.constant 0 : index
    %get3A_0 = arith.constant 0 : index
    %get3A_1 = arith.constant 0 : index
    %get3A_2 = vector.load %arg2[%get3A, %get3A_0, %get3A_1] : memref<2x32x32xf32, #tpu.memory_space<vmem>>, vector<1x32x32xf32>
    %get3A_3 = vector.shape_cast %get3A_2 : vector<1x32x32xf32> to vector<32x32xf32>
    %get3A_4 = arith.constant 1 : index
    %get3A_5 = arith.constant 0 : index
    %get3A_6 = arith.constant 0 : index
    %get3A_7 = vector.load %arg2[%get3A_4, %get3A_5, %get3A_6] : memref<2x32x32xf32, #tpu.memory_space<vmem>>, vector<1x32x32xf32>
    %get3A_8 = vector.shape_cast %get3A_7 : vector<1x32x32xf32> to vector<32x32xf32>
    %broadcast_in_dim3A = arith.constant 0.000000e+00 : f32
    %broadcast_in_dim3A_9 = vector.broadcast %broadcast_in_dim3A : f32 to vector<32x32xf32>
    %concatenate3A = tpu.concatenate %get3A_3, %broadcast_in_dim3A_9 in 1 : vector<32x32xf32>, vector<32x32xf32> -> vector<32x64xf32>
    %concatenate3A_10 = tpu.concatenate %broadcast_in_dim3A_9, %get3A_8 in 1 : vector<32x32xf32>, vector<32x32xf32> -> vector<32x64xf32>
    %concatenate3A_11 = tpu.concatenate %concatenate3A, %concatenate3A_10 in 0 : vector<32x64xf32>, vector<32x64xf32> -> vector<64x64xf32>
    %mul3A = arith.mulf %concatenate3A_11, %concatenate3A_11 : vector<64x64xf32>
    %reduce_sum3A = arith.constant dense<0.000000e+00> : vector<64xf32>
    %reduce_sum3A_12 = vector.multi_reduction <add>, %mul3A, %reduce_sum3A [1] : vector<64x64xf32> to vector<64xf32>
    %broadcast_in_dim3A_13 = vector.shape_cast %reduce_sum3A_12 : vector<64xf32> to vector<64x1xf32>
    %mul3A_14 = arith.constant -2.000000e+00 : f32
    %mul3A_15 = vector.broadcast %mul3A_14 : f32 to vector<64x64xf32>
    %mul3A_16 = arith.mulf %mul3A_15, %concatenate3A_11 : vector<64x64xf32>
    %get3A_17 = arith.constant 0 : index
    %get3A_18 = arith.constant 0 : index
    %get3A_19 = arith.constant 0 : index
    %get3A_20 = vector.load %arg1[%get3A_17, %get3A_18, %get3A_19] : memref<8x64x1024xf32, #tpu.memory_space<vmem>>, vector<1x64x1024xf32>
    %get3A_21 = vector.shape_cast %get3A_20 : vector<1x64x1024xf32> to vector<64x1024xf32>
    %dot_general3A = arith.constant dense<0.000000e+00> : vector<64x1024xf32>
    %dot_general3A_22 = tpu.matmul %mul3A_16, %get3A_21, %dot_general3A {dimension_numbers = #tpu.dot_dimension_numbers<[1], [0], [0], [1], [0, 0, 1, 1], [], []>, precision = #tpu.contract_precision<fp32>, transpose_lhs_hint = false} : vector<64x64xf32>, vector<64x1024xf32>, vector<64x1024xf32> -> vector<64x1024xf32>
    %add3A = vector.broadcast %broadcast_in_dim3A_13 : vector<64x1xf32> to vector<64x1024xf32>
    %add3A_23 = arith.addf %add3A, %dot_general3A_22 : vector<64x1024xf32>
    %slice3A = vector.extract_strided_slice %add3A_23 {offsets = [0, 0], sizes = [32, 1024], strides = [1, 1]} : vector<64x1024xf32> to vector<32x1024xf32>
    %reduce_min3A = arith.constant dense<0x7F800000> : vector<1024xf32>
    %reduce_min3A_24 = vector.multi_reduction <minimumf>, %slice3A, %reduce_min3A [0] : vector<32x1024xf32> to vector<1024xf32>
    %broadcast_in_dim3A_25 = vector.shape_cast %reduce_min3A_24 : vector<1024xf32> to vector<1x1024xf32>
    %le3A = vector.broadcast %broadcast_in_dim3A_25 : vector<1x1024xf32> to vector<32x1024xf32>
    %le3A_26 = arith.cmpf ole, %slice3A, %le3A : vector<32x1024xf32>
    %jit3A = arith.constant 32 : i32
    %broadcast_in_dim3A_27 = vector.broadcast %jit3A : i32 to vector<32x1024xi32>
    %select_n3A = arith.select %le3A_26, %iota3A, %broadcast_in_dim3A_27 : vector<32x1024xi1>, vector<32x1024xi32>
    %reduce_min3A_28 = arith.constant dense<2147483647> : vector<1024xi32>
    %reduce_min3A_29 = vector.multi_reduction <minsi>, %select_n3A, %reduce_min3A_28 [0] : vector<32x1024xi32> to vector<1024xi32>
    %slice3A_30 = vector.extract_strided_slice %add3A_23 {offsets = [32, 0], sizes = [32, 1024], strides = [1, 1]} : vector<64x1024xf32> to vector<32x1024xf32>
    %reduce_min3A_31 = arith.constant dense<0x7F800000> : vector<1024xf32>
    %reduce_min3A_32 = vector.multi_reduction <minimumf>, %slice3A_30, %reduce_min3A_31 [0] : vector<32x1024xf32> to vector<1024xf32>
    %broadcast_in_dim3A_33 = vector.shape_cast %reduce_min3A_32 : vector<1024xf32> to vector<1x1024xf32>
    %le3A_34 = vector.broadcast %broadcast_in_dim3A_33 : vector<1x1024xf32> to vector<32x1024xf32>
    %le3A_35 = arith.cmpf ole, %slice3A_30, %le3A_34 : vector<32x1024xf32>
    %jit3A_36 = arith.constant 32 : i32
    %broadcast_in_dim3A_37 = vector.broadcast %jit3A_36 : i32 to vector<32x1024xi32>
    %select_n3A_38 = arith.select %le3A_35, %iota3A, %broadcast_in_dim3A_37 : vector<32x1024xi1>, vector<32x1024xi32>
    %reduce_min3A_39 = arith.constant dense<2147483647> : vector<1024xi32>
    %reduce_min3A_40 = vector.multi_reduction <minsi>, %select_n3A_38, %reduce_min3A_39 [0] : vector<32x1024xi32> to vector<1024xi32>
    %mul3A_41 = arith.constant 32 : i32
    %mul3A_42 = vector.broadcast %mul3A_41 : i32 to vector<1024xi32>
    %mul3A_43 = arith.muli %mul3A_42, %reduce_min3A_40 : vector<1024xi32>
    %add3A_44 = arith.addi %reduce_min3A_29, %mul3A_43 : vector<1024xi32>
    %swap3A = arith.constant 0 : index
    %swap3A_45 = arith.constant 0 : index
    %swap3A_46 = vector.load %arg3[%swap3A, %swap3A_45] : memref<8x1024xi32, #tpu.memory_space<vmem>>, vector<1x1024xi32>
    %swap3A_47 = vector.shape_cast %swap3A_46 : vector<1x1024xi32> to vector<1024xi32>
    %swap3A_48 = vector.shape_cast %add3A_44 : vector<1024xi32> to vector<1x1024xi32>
    tpu.vector_store %arg3[%swap3A, %swap3A_45], %swap3A_48 {strides = array<i32>} : memref<8x1024xi32, #tpu.memory_space<vmem>>, vector<1x1024xi32>,
    %get3A_49 = arith.constant 1 : index
    %get3A_50 = arith.constant 0 : index
    %get3A_51 = arith.constant 0 : index
    %get3A_52 = vector.load %arg1[%get3A_49, %get3A_50, %get3A_51] : memref<8x64x1024xf32, #tpu.memory_space<vmem>>, vector<1x64x1024xf32>
    %get3A_53 = vector.shape_cast %get3A_52 : vector<1x64x1024xf32> to vector<64x1024xf32>
    %dot_general3A_54 = arith.constant dense<0.000000e+00> : vector<64x1024xf32>
    %dot_general3A_55 = tpu.matmul %mul3A_16, %get3A_53, %dot_general3A_54 {dimension_numbers = #tpu.dot_dimension_numbers<[1], [0], [0], [1], [0, 0, 1, 1], [], []>, precision = #tpu.contract_precision<fp32>, transpose_lhs_hint = false} : vector<64x64xf32>, vector<64x1024xf32>, vector<64x1024xf32> -> vector<64x1024xf32>
    %add3A_56 = vector.broadcast %broadcast_in_dim3A_13 : vector<64x1xf32> to vector<64x1024xf32>
    %add3A_57 = arith.addf %add3A_56, %dot_general3A_55 : vector<64x1024xf32>
    %slice3A_58 = vector.extract_strided_slice %add3A_57 {offsets = [0, 0], sizes = [32, 1024], strides = [1, 1]} : vector<64x1024xf32> to vector<32x1024xf32>
    %reduce_min3A_59 = arith.constant dense<0x7F800000> : vector<1024xf32>
    %reduce_min3A_60 = vector.multi_reduction <minimumf>, %slice3A_58, %reduce_min3A_59 [0] : vector<32x1024xf32> to vector<1024xf32>
    %broadcast_in_dim3A_61 = vector.shape_cast %reduce_min3A_60 : vector<1024xf32> to vector<1x1024xf32>
    %le3A_62 = vector.broadcast %broadcast_in_dim3A_61 : vector<1x1024xf32> to vector<32x1024xf32>
    %le3A_63 = arith.cmpf ole, %slice3A_58, %le3A_62 : vector<32x1024xf32>
    %jit3A_64 = arith.constant 32 : i32
    %broadcast_in_dim3A_65 = vector.broadcast %jit3A_64 : i32 to vector<32x1024xi32>
    %select_n3A_66 = arith.select %le3A_63, %iota3A, %broadcast_in_dim3A_65 : vector<32x1024xi1>, vector<32x1024xi32>
    %reduce_min3A_67 = arith.constant dense<2147483647> : vector<1024xi32>
    %reduce_min3A_68 = vector.multi_reduction <minsi>, %select_n3A_66, %reduce_min3A_67 [0] : vector<32x1024xi32> to vector<1024xi32>
    %slice3A_69 = vector.extract_strided_slice %add3A_57 {offsets = [32, 0], sizes = [32, 1024], strides = [1, 1]} : vector<64x1024xf32> to vector<32x1024xf32>
    %reduce_min3A_70 = arith.constant dense<0x7F800000> : vector<1024xf32>
    %reduce_min3A_71 = vector.multi_reduction <minimumf>, %slice3A_69, %reduce_min3A_70 [0] : vector<32x1024xf32> to vector<1024xf32>
    %broadcast_in_dim3A_72 = vector.shape_cast %reduce_min3A_71 : vector<1024xf32> to vector<1x1024xf32>
    %le3A_73 = vector.broadcast %broadcast_in_dim3A_72 : vector<1x1024xf32> to vector<32x1024xf32>
    %le3A_74 = arith.cmpf ole, %slice3A_69, %le3A_73 : vector<32x1024xf32>
    %jit3A_75 = arith.constant 32 : i32
    %broadcast_in_dim3A_76 = vector.broadcast %jit3A_75 : i32 to vector<32x1024xi32>
    %select_n3A_77 = arith.select %le3A_74, %iota3A, %broadcast_in_dim3A_76 : vector<32x1024xi1>, vector<32x1024xi32>
    %reduce_min3A_78 = arith.constant dense<2147483647> : vector<1024xi32>
    %reduce_min3A_79 = vector.multi_reduction <minsi>, %select_n3A_77, %reduce_min3A_78 [0] : vector<32x1024xi32> to vector<1024xi32>
    %mul3A_80 = arith.constant 32 : i32
    %mul3A_81 = vector.broadcast %mul3A_80 : i32 to vector<1024xi32>
    %mul3A_82 = arith.muli %mul3A_81, %reduce_min3A_79 : vector<1024xi32>
    %add3A_83 = arith.addi %reduce_min3A_68, %mul3A_82 : vector<1024xi32>
    %swap3A_84 = arith.constant 1 : index
    %swap3A_85 = arith.constant 0 : index
    %swap3A_86 = vector.load %arg3[%swap3A_84, %swap3A_85] : memref<8x1024xi32, #tpu.memory_space<vmem>>, vector<1x1024xi32>
    %swap3A_87 = vector.shape_cast %swap3A_86 : vector<1x1024xi32> to vector<1024xi32>
    %swap3A_88 = vector.shape_cast %add3A_83 : vector<1024xi32> to vector<1x1024xi32>
    tpu.vector_store %arg3[%swap3A_84, %swap3A_85], %swap3A_88 {strides = array<i32>} : memref<8x1024xi32, #tpu.memory_space<vmem>>, vector<1x1024xi32>,
    %get3A_89 = arith.constant 2 : index
    %get3A_90 = arith.constant 0 : index
    %get3A_91 = arith.constant 0 : index
    %get3A_92 = vector.load %arg1[%get3A_89, %get3A_90, %get3A_91] : memref<8x64x1024xf32, #tpu.memory_space<vmem>>, vector<1x64x1024xf32>
    %get3A_93 = vector.shape_cast %get3A_92 : vector<1x64x1024xf32> to vector<64x1024xf32>
    %dot_general3A_94 = arith.constant dense<0.000000e+00> : vector<64x1024xf32>
    %dot_general3A_95 = tpu.matmul %mul3A_16, %get3A_93, %dot_general3A_94 {dimension_numbers = #tpu.dot_dimension_numbers<[1], [0], [0], [1], [0, 0, 1, 1], [], []>, precision = #tpu.contract_precision<fp32>, transpose_lhs_hint = false} : vector<64x64xf32>, vector<64x1024xf32>, vector<64x1024xf32> -> vector<64x1024xf32>
    %add3A_96 = vector.broadcast %broadcast_in_dim3A_13 : vector<64x1xf32> to vector<64x1024xf32>
    %add3A_97 = arith.addf %add3A_96, %dot_general3A_95 : vector<64x1024xf32>
    %slice3A_98 = vector.extract_strided_slice %add3A_97 {offsets = [0, 0], sizes = [32, 1024], strides = [1, 1]} : vector<64x1024xf32> to vector<32x1024xf32>
    %reduce_min3A_99 = arith.constant dense<0x7F800000> : vector<1024xf32>
    %reduce_min3A_100 = vector.multi_reduction <minimumf>, %slice3A_98, %reduce_min3A_99 [0] : vector<32x1024xf32> to vector<1024xf32>
    %broadcast_in_dim3A_101 = vector.shape_cast %reduce_min3A_100 : vector<1024xf32> to vector<1x1024xf32>
    %le3A_102 = vector.broadcast %broadcast_in_dim3A_101 : vector<1x1024xf32> to vector<32x1024xf32>
    %le3A_103 = arith.cmpf ole, %slice3A_98, %le3A_102 : vector<32x1024xf32>
    %jit3A_104 = arith.constant 32 : i32
    %broadcast_in_dim3A_105 = vector.broadcast %jit3A_104 : i32 to vector<32x1024xi32>
    %select_n3A_106 = arith.select %le3A_103, %iota3A, %broadcast_in_dim3A_105 : vector<32x1024xi1>, vector<32x1024xi32>
    %reduce_min3A_107 = arith.constant dense<2147483647> : vector<1024xi32>
    %reduce_min3A_108 = vector.multi_reduction <minsi>, %select_n3A_106, %reduce_min3A_107 [0] : vector<32x1024xi32> to vector<1024xi32>
    %slice3A_109 = vector.extract_strided_slice %add3A_97 {offsets = [32, 0], sizes = [32, 1024], strides = [1, 1]} : vector<64x1024xf32> to vector<32x1024xf32>
    %reduce_min3A_110 = arith.constant dense<0x7F800000> : vector<1024xf32>
    %reduce_min3A_111 = vector.multi_reduction <minimumf>, %slice3A_109, %reduce_min3A_110 [0] : vector<32x1024xf32> to vector<1024xf32>
    %broadcast_in_dim3A_112 = vector.shape_cast %reduce_min3A_111 : vector<1024xf32> to vector<1x1024xf32>
    %le3A_113 = vector.broadcast %broadcast_in_dim3A_112 : vector<1x1024xf32> to vector<32x1024xf32>
    %le3A_114 = arith.cmpf ole, %slice3A_109, %le3A_113 : vector<32x1024xf32>
    %jit3A_115 = arith.constant 32 : i32
    %broadcast_in_dim3A_116 = vector.broadcast %jit3A_115 : i32 to vector<32x1024xi32>
    %select_n3A_117 = arith.select %le3A_114, %iota3A, %broadcast_in_dim3A_116 : vector<32x1024xi1>, vector<32x1024xi32>
    %reduce_min3A_118 = arith.constant dense<2147483647> : vector<1024xi32>
    %reduce_min3A_119 = vector.multi_reduction <minsi>, %select_n3A_117, %reduce_min3A_118 [0] : vector<32x1024xi32> to vector<1024xi32>
    %mul3A_120 = arith.constant 32 : i32
    %mul3A_121 = vector.broadcast %mul3A_120 : i32 to vector<1024xi32>
    %mul3A_122 = arith.muli %mul3A_121, %reduce_min3A_119 : vector<1024xi32>
    %add3A_123 = arith.addi %reduce_min3A_108, %mul3A_122 : vector<1024xi32>
    %swap3A_124 = arith.constant 2 : index
    %swap3A_125 = arith.constant 0 : index
    %swap3A_126 = vector.load %arg3[%swap3A_124, %swap3A_125] : memref<8x1024xi32, #tpu.memory_space<vmem>>, vector<1x1024xi32>
    %swap3A_127 = vector.shape_cast %swap3A_126 : vector<1x1024xi32> to vector<1024xi32>
    %swap3A_128 = vector.shape_cast %add3A_123 : vector<1024xi32> to vector<1x1024xi32>
    tpu.vector_store %arg3[%swap3A_124, %swap3A_125], %swap3A_128 {strides = array<i32>} : memref<8x1024xi32, #tpu.memory_space<vmem>>, vector<1x1024xi32>,
    %get3A_129 = arith.constant 3 : index
    %get3A_130 = arith.constant 0 : index
    %get3A_131 = arith.constant 0 : index
    %get3A_132 = vector.load %arg1[%get3A_129, %get3A_130, %get3A_131] : memref<8x64x1024xf32, #tpu.memory_space<vmem>>, vector<1x64x1024xf32>
    %get3A_133 = vector.shape_cast %get3A_132 : vector<1x64x1024xf32> to vector<64x1024xf32>
    %dot_general3A_134 = arith.constant dense<0.000000e+00> : vector<64x1024xf32>
    %dot_general3A_135 = tpu.matmul %mul3A_16, %get3A_133, %dot_general3A_134 {dimension_numbers = #tpu.dot_dimension_numbers<[1], [0], [0], [1], [0, 0, 1, 1], [], []>, precision = #tpu.contract_precision<fp32>, transpose_lhs_hint = false} : vector<64x64xf32>, vector<64x1024xf32>, vector<64x1024xf32> -> vector<64x1024xf32>
    %add3A_136 = vector.broadcast %broadcast_in_dim3A_13 : vector<64x1xf32> to vector<64x1024xf32>
    %add3A_137 = arith.addf %add3A_136, %dot_general3A_135 : vector<64x1024xf32>
    %slice3A_138 = vector.extract_strided_slice %add3A_137 {offsets = [0, 0], sizes = [32, 1024], strides = [1, 1]} : vector<64x1024xf32> to vector<32x1024xf32>
    %reduce_min3A_139 = arith.constant dense<0x7F800000> : vector<1024xf32>
    %reduce_min3A_140 = vector.multi_reduction <minimumf>, %slice3A_138, %reduce_min3A_139 [0] : vector<32x1024xf32> to vector<1024xf32>
    %broadcast_in_dim3A_141 = vector.shape_cast %reduce_min3A_140 : vector<1024xf32> to vector<1x1024xf32>
    %le3A_142 = vector.broadcast %broadcast_in_dim3A_141 : vector<1x1024xf32> to vector<32x1024xf32>
    %le3A_143 = arith.cmpf ole, %slice3A_138, %le3A_142 : vector<32x1024xf32>
    %jit3A_144 = arith.constant 32 : i32
    %broadcast_in_dim3A_145 = vector.broadcast %jit3A_144 : i32 to vector<32x1024xi32>
    %select_n3A_146 = arith.select %le3A_143, %iota3A, %broadcast_in_dim3A_145 : vector<32x1024xi1>, vector<32x1024xi32>
    %reduce_min3A_147 = arith.constant dense<2147483647> : vector<1024xi32>
    %reduce_min3A_148 = vector.multi_reduction <minsi>, %select_n3A_146, %reduce_min3A_147 [0] : vector<32x1024xi32> to vector<1024xi32>
    %slice3A_149 = vector.extract_strided_slice %add3A_137 {offsets = [32, 0], sizes = [32, 1024], strides = [1, 1]} : vector<64x1024xf32> to vector<32x1024xf32>
    %reduce_min3A_150 = arith.constant dense<0x7F800000> : vector<1024xf32>
    %reduce_min3A_151 = vector.multi_reduction <minimumf>, %slice3A_149, %reduce_min3A_150 [0] : vector<32x1024xf32> to vector<1024xf32>
    %broadcast_in_dim3A_152 = vector.shape_cast %reduce_min3A_151 : vector<1024xf32> to vector<1x1024xf32>
    %le3A_153 = vector.broadcast %broadcast_in_dim3A_152 : vector<1x1024xf32> to vector<32x1024xf32>
    %le3A_154 = arith.cmpf ole, %slice3A_149, %le3A_153 : vector<32x1024xf32>
    %jit3A_155 = arith.constant 32 : i32
    %broadcast_in_dim3A_156 = vector.broadcast %jit3A_155 : i32 to vector<32x1024xi32>
    %select_n3A_157 = arith.select %le3A_154, %iota3A, %broadcast_in_dim3A_156 : vector<32x1024xi1>, vector<32x1024xi32>
    %reduce_min3A_158 = arith.constant dense<2147483647> : vector<1024xi32>
    %reduce_min3A_159 = vector.multi_reduction <minsi>, %select_n3A_157, %reduce_min3A_158 [0] : vector<32x1024xi32> to vector<1024xi32>
    %mul3A_160 = arith.constant 32 : i32
    %mul3A_161 = vector.broadcast %mul3A_160 : i32 to vector<1024xi32>
    %mul3A_162 = arith.muli %mul3A_161, %reduce_min3A_159 : vector<1024xi32>
    %add3A_163 = arith.addi %reduce_min3A_148, %mul3A_162 : vector<1024xi32>
    %swap3A_164 = arith.constant 3 : index
    %swap3A_165 = arith.constant 0 : index
    %swap3A_166 = vector.load %arg3[%swap3A_164, %swap3A_165] : memref<8x1024xi32, #tpu.memory_space<vmem>>, vector<1x1024xi32>
    %swap3A_167 = vector.shape_cast %swap3A_166 : vector<1x1024xi32> to vector<1024xi32>
    %swap3A_168 = vector.shape_cast %add3A_163 : vector<1024xi32> to vector<1x1024xi32>
    tpu.vector_store %arg3[%swap3A_164, %swap3A_165], %swap3A_168 {strides = array<i32>} : memref<8x1024xi32, #tpu.memory_space<vmem>>, vector<1x1024xi32>,
    %get3A_169 = arith.constant 4 : index
    %get3A_170 = arith.constant 0 : index
    %get3A_171 = arith.constant 0 : index
    %get3A_172 = vector.load %arg1[%get3A_169, %get3A_170, %get3A_171] : memref<8x64x1024xf32, #tpu.memory_space<vmem>>, vector<1x64x1024xf32>
    %get3A_173 = vector.shape_cast %get3A_172 : vector<1x64x1024xf32> to vector<64x1024xf32>
    %dot_general3A_174 = arith.constant dense<0.000000e+00> : vector<64x1024xf32>
    %dot_general3A_175 = tpu.matmul %mul3A_16, %get3A_173, %dot_general3A_174 {dimension_numbers = #tpu.dot_dimension_numbers<[1], [0], [0], [1], [0, 0, 1, 1], [], []>, precision = #tpu.contract_precision<fp32>, transpose_lhs_hint = false} : vector<64x64xf32>, vector<64x1024xf32>, vector<64x1024xf32> -> vector<64x1024xf32>
    %add3A_176 = vector.broadcast %broadcast_in_dim3A_13 : vector<64x1xf32> to vector<64x1024xf32>
    %add3A_177 = arith.addf %add3A_176, %dot_general3A_175 : vector<64x1024xf32>
    %slice3A_178 = vector.extract_strided_slice %add3A_177 {offsets = [0, 0], sizes = [32, 1024], strides = [1, 1]} : vector<64x1024xf32> to vector<32x1024xf32>
    %reduce_min3A_179 = arith.constant dense<0x7F800000> : vector<1024xf32>
    %reduce_min3A_180 = vector.multi_reduction <minimumf>, %slice3A_178, %reduce_min3A_179 [0] : vector<32x1024xf32> to vector<1024xf32>
    %broadcast_in_dim3A_181 = vector.shape_cast %reduce_min3A_180 : vector<1024xf32> to vector<1x1024xf32>
    %le3A_182 = vector.broadcast %broadcast_in_dim3A_181 : vector<1x1024xf32> to vector<32x1024xf32>
    %le3A_183 = arith.cmpf ole, %slice3A_178, %le3A_182 : vector<32x1024xf32>
    %jit3A_184 = arith.constant 32 : i32
    %broadcast_in_dim3A_185 = vector.broadcast %jit3A_184 : i32 to vector<32x1024xi32>
    %select_n3A_186 = arith.select %le3A_183, %iota3A, %broadcast_in_dim3A_185 : vector<32x1024xi1>, vector<32x1024xi32>
    %reduce_min3A_187 = arith.constant dense<2147483647> : vector<1024xi32>
    %reduce_min3A_188 = vector.multi_reduction <minsi>, %select_n3A_186, %reduce_min3A_187 [0] : vector<32x1024xi32> to vector<1024xi32>
    %slice3A_189 = vector.extract_strided_slice %add3A_177 {offsets = [32, 0], sizes = [32, 1024], strides = [1, 1]} : vector<64x1024xf32> to vector<32x1024xf32>
    %reduce_min3A_190 = arith.constant dense<0x7F800000> : vector<1024xf32>
    %reduce_min3A_191 = vector.multi_reduction <minimumf>, %slice3A_189, %reduce_min3A_190 [0] : vector<32x1024xf32> to vector<1024xf32>
    %broadcast_in_dim3A_192 = vector.shape_cast %reduce_min3A_191 : vector<1024xf32> to vector<1x1024xf32>
    %le3A_193 = vector.broadcast %broadcast_in_dim3A_192 : vector<1x1024xf32> to vector<32x1024xf32>
    %le3A_194 = arith.cmpf ole, %slice3A_189, %le3A_193 : vector<32x1024xf32>
    %jit3A_195 = arith.constant 32 : i32
    %broadcast_in_dim3A_196 = vector.broadcast %jit3A_195 : i32 to vector<32x1024xi32>
    %select_n3A_197 = arith.select %le3A_194, %iota3A, %broadcast_in_dim3A_196 : vector<32x1024xi1>, vector<32x1024xi32>
    %reduce_min3A_198 = arith.constant dense<2147483647> : vector<1024xi32>
    %reduce_min3A_199 = vector.multi_reduction <minsi>, %select_n3A_197, %reduce_min3A_198 [0] : vector<32x1024xi32> to vector<1024xi32>
    %mul3A_200 = arith.constant 32 : i32
    %mul3A_201 = vector.broadcast %mul3A_200 : i32 to vector<1024xi32>
    %mul3A_202 = arith.muli %mul3A_201, %reduce_min3A_199 : vector<1024xi32>
    %add3A_203 = arith.addi %reduce_min3A_188, %mul3A_202 : vector<1024xi32>
    %swap3A_204 = arith.constant 4 : index
    %swap3A_205 = arith.constant 0 : index
    %swap3A_206 = vector.load %arg3[%swap3A_204, %swap3A_205] : memref<8x1024xi32, #tpu.memory_space<vmem>>, vector<1x1024xi32>
    %swap3A_207 = vector.shape_cast %swap3A_206 : vector<1x1024xi32> to vector<1024xi32>
    %swap3A_208 = vector.shape_cast %add3A_203 : vector<1024xi32> to vector<1x1024xi32>
    tpu.vector_store %arg3[%swap3A_204, %swap3A_205], %swap3A_208 {strides = array<i32>} : memref<8x1024xi32, #tpu.memory_space<vmem>>, vector<1x1024xi32>,
    %get3A_209 = arith.constant 5 : index
    %get3A_210 = arith.constant 0 : index
    %get3A_211 = arith.constant 0 : index
    %get3A_212 = vector.load %arg1[%get3A_209, %get3A_210, %get3A_211] : memref<8x64x1024xf32, #tpu.memory_space<vmem>>, vector<1x64x1024xf32>
    %get3A_213 = vector.shape_cast %get3A_212 : vector<1x64x1024xf32> to vector<64x1024xf32>
    %dot_general3A_214 = arith.constant dense<0.000000e+00> : vector<64x1024xf32>
    %dot_general3A_215 = tpu.matmul %mul3A_16, %get3A_213, %dot_general3A_214 {dimension_numbers = #tpu.dot_dimension_numbers<[1], [0], [0], [1], [0, 0, 1, 1], [], []>, precision = #tpu.contract_precision<fp32>, transpose_lhs_hint = false} : vector<64x64xf32>, vector<64x1024xf32>, vector<64x1024xf32> -> vector<64x1024xf32>
    %add3A_216 = vector.broadcast %broadcast_in_dim3A_13 : vector<64x1xf32> to vector<64x1024xf32>
    %add3A_217 = arith.addf %add3A_216, %dot_general3A_215 : vector<64x1024xf32>
    %slice3A_218 = vector.extract_strided_slice %add3A_217 {offsets = [0, 0], sizes = [32, 1024], strides = [1, 1]} : vector<64x1024xf32> to vector<32x1024xf32>
    %reduce_min3A_219 = arith.constant dense<0x7F800000> : vector<1024xf32>
    %reduce_min3A_220 = vector.multi_reduction <minimumf>, %slice3A_218, %reduce_min3A_219 [0] : vector<32x1024xf32> to vector<1024xf32>
    %broadcast_in_dim3A_221 = vector.shape_cast %reduce_min3A_220 : vector<1024xf32> to vector<1x1024xf32>
    %le3A_222 = vector.broadcast %broadcast_in_dim3A_221 : vector<1x1024xf32> to vector<32x1024xf32>
    %le3A_223 = arith.cmpf ole, %slice3A_218, %le3A_222 : vector<32x1024xf32>
    %jit3A_224 = arith.constant 32 : i32
    %broadcast_in_dim3A_225 = vector.broadcast %jit3A_224 : i32 to vector<32x1024xi32>
    %select_n3A_226 = arith.select %le3A_223, %iota3A, %broadcast_in_dim3A_225 : vector<32x1024xi1>, vector<32x1024xi32>
    %reduce_min3A_227 = arith.constant dense<2147483647> : vector<1024xi32>
    %reduce_min3A_228 = vector.multi_reduction <minsi>, %select_n3A_226, %reduce_min3A_227 [0] : vector<32x1024xi32> to vector<1024xi32>
    %slice3A_229 = vector.extract_strided_slice %add3A_217 {offsets = [32, 0], sizes = [32, 1024], strides = [1, 1]} : vector<64x1024xf32> to vector<32x1024xf32>
    %reduce_min3A_230 = arith.constant dense<0x7F800000> : vector<1024xf32>
    %reduce_min3A_231 = vector.multi_reduction <minimumf>, %slice3A_229, %reduce_min3A_230 [0] : vector<32x1024xf32> to vector<1024xf32>
    %broadcast_in_dim3A_232 = vector.shape_cast %reduce_min3A_231 : vector<1024xf32> to vector<1x1024xf32>
    %le3A_233 = vector.broadcast %broadcast_in_dim3A_232 : vector<1x1024xf32> to vector<32x1024xf32>
    %le3A_234 = arith.cmpf ole, %slice3A_229, %le3A_233 : vector<32x1024xf32>
    %jit3A_235 = arith.constant 32 : i32
    %broadcast_in_dim3A_236 = vector.broadcast %jit3A_235 : i32 to vector<32x1024xi32>
    %select_n3A_237 = arith.select %le3A_234, %iota3A, %broadcast_in_dim3A_236 : vector<32x1024xi1>, vector<32x1024xi32>
    %reduce_min3A_238 = arith.constant dense<2147483647> : vector<1024xi32>
    %reduce_min3A_239 = vector.multi_reduction <minsi>, %select_n3A_237, %reduce_min3A_238 [0] : vector<32x1024xi32> to vector<1024xi32>
    %mul3A_240 = arith.constant 32 : i32
    %mul3A_241 = vector.broadcast %mul3A_240 : i32 to vector<1024xi32>
    %mul3A_242 = arith.muli %mul3A_241, %reduce_min3A_239 : vector<1024xi32>
    %add3A_243 = arith.addi %reduce_min3A_228, %mul3A_242 : vector<1024xi32>
    %swap3A_244 = arith.constant 5 : index
    %swap3A_245 = arith.constant 0 : index
    %swap3A_246 = vector.load %arg3[%swap3A_244, %swap3A_245] : memref<8x1024xi32, #tpu.memory_space<vmem>>, vector<1x1024xi32>
    %swap3A_247 = vector.shape_cast %swap3A_246 : vector<1x1024xi32> to vector<1024xi32>
    %swap3A_248 = vector.shape_cast %add3A_243 : vector<1024xi32> to vector<1x1024xi32>
    tpu.vector_store %arg3[%swap3A_244, %swap3A_245], %swap3A_248 {strides = array<i32>} : memref<8x1024xi32, #tpu.memory_space<vmem>>, vector<1x1024xi32>,
    %get3A_249 = arith.constant 6 : index
    %get3A_250 = arith.constant 0 : index
    %get3A_251 = arith.constant 0 : index
    %get3A_252 = vector.load %arg1[%get3A_249, %get3A_250, %get3A_251] : memref<8x64x1024xf32, #tpu.memory_space<vmem>>, vector<1x64x1024xf32>
    %get3A_253 = vector.shape_cast %get3A_252 : vector<1x64x1024xf32> to vector<64x1024xf32>
    %dot_general3A_254 = arith.constant dense<0.000000e+00> : vector<64x1024xf32>
    %dot_general3A_255 = tpu.matmul %mul3A_16, %get3A_253, %dot_general3A_254 {dimension_numbers = #tpu.dot_dimension_numbers<[1], [0], [0], [1], [0, 0, 1, 1], [], []>, precision = #tpu.contract_precision<fp32>, transpose_lhs_hint = false} : vector<64x64xf32>, vector<64x1024xf32>, vector<64x1024xf32> -> vector<64x1024xf32>
    %add3A_256 = vector.broadcast %broadcast_in_dim3A_13 : vector<64x1xf32> to vector<64x1024xf32>
    %add3A_257 = arith.addf %add3A_256, %dot_general3A_255 : vector<64x1024xf32>
    %slice3A_258 = vector.extract_strided_slice %add3A_257 {offsets = [0, 0], sizes = [32, 1024], strides = [1, 1]} : vector<64x1024xf32> to vector<32x1024xf32>
    %reduce_min3A_259 = arith.constant dense<0x7F800000> : vector<1024xf32>
    %reduce_min3A_260 = vector.multi_reduction <minimumf>, %slice3A_258, %reduce_min3A_259 [0] : vector<32x1024xf32> to vector<1024xf32>
    %broadcast_in_dim3A_261 = vector.shape_cast %reduce_min3A_260 : vector<1024xf32> to vector<1x1024xf32>
    %le3A_262 = vector.broadcast %broadcast_in_dim3A_261 : vector<1x1024xf32> to vector<32x1024xf32>
    %le3A_263 = arith.cmpf ole, %slice3A_258, %le3A_262 : vector<32x1024xf32>
    %jit3A_264 = arith.constant 32 : i32
    %broadcast_in_dim3A_265 = vector.broadcast %jit3A_264 : i32 to vector<32x1024xi32>
    %select_n3A_266 = arith.select %le3A_263, %iota3A, %broadcast_in_dim3A_265 : vector<32x1024xi1>, vector<32x1024xi32>
    %reduce_min3A_267 = arith.constant dense<2147483647> : vector<1024xi32>
    %reduce_min3A_268 = vector.multi_reduction <minsi>, %select_n3A_266, %reduce_min3A_267 [0] : vector<32x1024xi32> to vector<1024xi32>
    %slice3A_269 = vector.extract_strided_slice %add3A_257 {offsets = [32, 0], sizes = [32, 1024], strides = [1, 1]} : vector<64x1024xf32> to vector<32x1024xf32>
    %reduce_min3A_270 = arith.constant dense<0x7F800000> : vector<1024xf32>
    %reduce_min3A_271 = vector.multi_reduction <minimumf>, %slice3A_269, %reduce_min3A_270 [0] : vector<32x1024xf32> to vector<1024xf32>
    %broadcast_in_dim3A_272 = vector.shape_cast %reduce_min3A_271 : vector<1024xf32> to vector<1x1024xf32>
    %le3A_273 = vector.broadcast %broadcast_in_dim3A_272 : vector<1x1024xf32> to vector<32x1024xf32>
    %le3A_274 = arith.cmpf ole, %slice3A_269, %le3A_273 : vector<32x1024xf32>
    %jit3A_275 = arith.constant 32 : i32
    %broadcast_in_dim3A_276 = vector.broadcast %jit3A_275 : i32 to vector<32x1024xi32>
    %select_n3A_277 = arith.select %le3A_274, %iota3A, %broadcast_in_dim3A_276 : vector<32x1024xi1>, vector<32x1024xi32>
    %reduce_min3A_278 = arith.constant dense<2147483647> : vector<1024xi32>
    %reduce_min3A_279 = vector.multi_reduction <minsi>, %select_n3A_277, %reduce_min3A_278 [0] : vector<32x1024xi32> to vector<1024xi32>
    %mul3A_280 = arith.constant 32 : i32
    %mul3A_281 = vector.broadcast %mul3A_280 : i32 to vector<1024xi32>
    %mul3A_282 = arith.muli %mul3A_281, %reduce_min3A_279 : vector<1024xi32>
    %add3A_283 = arith.addi %reduce_min3A_268, %mul3A_282 : vector<1024xi32>
    %swap3A_284 = arith.constant 6 : index
    %swap3A_285 = arith.constant 0 : index
    %swap3A_286 = vector.load %arg3[%swap3A_284, %swap3A_285] : memref<8x1024xi32, #tpu.memory_space<vmem>>, vector<1x1024xi32>
    %swap3A_287 = vector.shape_cast %swap3A_286 : vector<1x1024xi32> to vector<1024xi32>
    %swap3A_288 = vector.shape_cast %add3A_283 : vector<1024xi32> to vector<1x1024xi32>
    tpu.vector_store %arg3[%swap3A_284, %swap3A_285], %swap3A_288 {strides = array<i32>} : memref<8x1024xi32, #tpu.memory_space<vmem>>, vector<1x1024xi32>,
    %get3A_289 = arith.constant 7 : index
    %get3A_290 = arith.constant 0 : index
    %get3A_291 = arith.constant 0 : index
    %get3A_292 = vector.load %arg1[%get3A_289, %get3A_290, %get3A_291] : memref<8x64x1024xf32, #tpu.memory_space<vmem>>, vector<1x64x1024xf32>
    %get3A_293 = vector.shape_cast %get3A_292 : vector<1x64x1024xf32> to vector<64x1024xf32>
    %dot_general3A_294 = arith.constant dense<0.000000e+00> : vector<64x1024xf32>
    %dot_general3A_295 = tpu.matmul %mul3A_16, %get3A_293, %dot_general3A_294 {dimension_numbers = #tpu.dot_dimension_numbers<[1], [0], [0], [1], [0, 0, 1, 1], [], []>, precision = #tpu.contract_precision<fp32>, transpose_lhs_hint = false} : vector<64x64xf32>, vector<64x1024xf32>, vector<64x1024xf32> -> vector<64x1024xf32>
    %add3A_296 = vector.broadcast %broadcast_in_dim3A_13 : vector<64x1xf32> to vector<64x1024xf32>
    %add3A_297 = arith.addf %add3A_296, %dot_general3A_295 : vector<64x1024xf32>
    %slice3A_298 = vector.extract_strided_slice %add3A_297 {offsets = [0, 0], sizes = [32, 1024], strides = [1, 1]} : vector<64x1024xf32> to vector<32x1024xf32>
    %reduce_min3A_299 = arith.constant dense<0x7F800000> : vector<1024xf32>
    %reduce_min3A_300 = vector.multi_reduction <minimumf>, %slice3A_298, %reduce_min3A_299 [0] : vector<32x1024xf32> to vector<1024xf32>
    %broadcast_in_dim3A_301 = vector.shape_cast %reduce_min3A_300 : vector<1024xf32> to vector<1x1024xf32>
    %le3A_302 = vector.broadcast %broadcast_in_dim3A_301 : vector<1x1024xf32> to vector<32x1024xf32>
    %le3A_303 = arith.cmpf ole, %slice3A_298, %le3A_302 : vector<32x1024xf32>
    %jit3A_304 = arith.constant 32 : i32
    %broadcast_in_dim3A_305 = vector.broadcast %jit3A_304 : i32 to vector<32x1024xi32>
    %select_n3A_306 = arith.select %le3A_303, %iota3A, %broadcast_in_dim3A_305 : vector<32x1024xi1>, vector<32x1024xi32>
    %reduce_min3A_307 = arith.constant dense<2147483647> : vector<1024xi32>
    %reduce_min3A_308 = vector.multi_reduction <minsi>, %select_n3A_306, %reduce_min3A_307 [0] : vector<32x1024xi32> to vector<1024xi32>
    %slice3A_309 = vector.extract_strided_slice %add3A_297 {offsets = [32, 0], sizes = [32, 1024], strides = [1, 1]} : vector<64x1024xf32> to vector<32x1024xf32>
    %reduce_min3A_310 = arith.constant dense<0x7F800000> : vector<1024xf32>
    %reduce_min3A_311 = vector.multi_reduction <minimumf>, %slice3A_309, %reduce_min3A_310 [0] : vector<32x1024xf32> to vector<1024xf32>
    %broadcast_in_dim3A_312 = vector.shape_cast %reduce_min3A_311 : vector<1024xf32> to vector<1x1024xf32>
    %le3A_313 = vector.broadcast %broadcast_in_dim3A_312 : vector<1x1024xf32> to vector<32x1024xf32>
    %le3A_314 = arith.cmpf ole, %slice3A_309, %le3A_313 : vector<32x1024xf32>
    %jit3A_315 = arith.constant 32 : i32
    %broadcast_in_dim3A_316 = vector.broadcast %jit3A_315 : i32 to vector<32x1024xi32>
    %select_n3A_317 = arith.select %le3A_314, %iota3A, %broadcast_in_dim3A_316 : vector<32x1024xi1>, vector<32x1024xi32>
    %reduce_min3A_318 = arith.constant dense<2147483647> : vector<1024xi32>
    %reduce_min3A_319 = vector.multi_reduction <minsi>, %select_n3A_317, %reduce_min3A_318 [0] : vector<32x1024xi32> to vector<1024xi32>
    %mul3A_320 = arith.constant 32 : i32
    %mul3A_321 = vector.broadcast %mul3A_320 : i32 to vector<1024xi32>
    %mul3A_322 = arith.muli %mul3A_321, %reduce_min3A_319 : vector<1024xi32>
    %add3A_323 = arith.addi %reduce_min3A_308, %mul3A_322 : vector<1024xi32>
    %swap3A_324 = arith.constant 7 : index
    %swap3A_325 = arith.constant 0 : index
    %swap3A_326 = vector.load %arg3[%swap3A_324, %swap3A_325] : memref<8x1024xi32, #tpu.memory_space<vmem>>, vector<1x1024xi32>
    %swap3A_327 = vector.shape_cast %swap3A_326 : vector<1x1024xi32> to vector<1024xi32>
    %swap3A_328 = vector.shape_cast %add3A_323 : vector<1024xi32> to vector<1x1024xi32>
    tpu.vector_store %arg3[%swap3A_324, %swap3A_325], %swap3A_328 {strides = array<i32>} : memref<8x1024xi32, #tpu.memory_space<vmem>>, vector<1x1024xi32>,
    return
  }
  func.func @transform_0(%arg0: i32) -> (i32, i32, i32) {
    %c0_i32 = arith.constant 0 : i32
    %c0_i32_0 = arith.constant 0 : i32
    %c0_i32_1 = arith.constant 0 : i32
    return %arg0, %c0_i32, %c0_i32_0 : i32, i32, i32
  }
  func.func @transform_1(%arg0: i32) -> (i32, i32, i32) {
    %c0_i32 = arith.constant 0 : i32
    %c0_i32_0 = arith.constant 0 : i32
    %c0_i32_1 = arith.constant 0 : i32
    %c0_i32_2 = arith.constant 0 : i32
    return %c0_i32, %c0_i32_0, %c0_i32_1 : i32, i32, i32
  }
  func.func @transform_2(%arg0: i32) -> (i32, i32) {
    %c0_i32 = arith.constant 0 : i32
    %c0_i32_0 = arith.constant 0 : i32
    return %arg0, %c0_i32 : i32, i32
  }
}

</mosaic_0001>

<sc_bundles>
// kernel: kernel.5.cloned.1.call-start
scs
__scs_entry_jumppad:
0x0: {  	(pc) =	sbr.rel $0x88, $3  }
0x1: {  	(tag) =	ssettag $0x0;
	lr =	simm.s32 $0x1  }
0x2: {  	[smem:$0x3F9E] =	sst lr;
	_ =	strace $0xD0000000  }
0x3: {  	_ = 	snop  }
0x4: {  	_ = 	snop  }
0x5: {  	_ = 	snop  }
0x6: {  	_ = 	snop  }
0x7: {  	_ = 	snop  }
__scs_overlays_trampoline_lowered:
0x8: {  	[smem:$0x3FAD] =	sst s0  }
0x9: {  	[smem:$0x3FAE] =	sst s1  }
0xa: {  	[smem:$0x3FAF] =	sst s2  }
0xb: {  	[smem:$0x3FB0] =	sst s3  }
0xc: {  	[smem:$0x3FB1] =	sst s4  }
0xd: {  	[smem:$0x3FB2] =	sst s5  }
0xe: {  	[smem:$0x3FB3] =	sst s6  }
0xf: {  	[smem:$0x3FB4] =	sst s7  }
0x10: {  	[smem:$0x3FB5] =	sst s8  }
0x11: {  	[smem:$0x3FB6] =	sst s9;
	s0 =	simm.s32 @!p0 $0x0  }
0x12: {  	s1 =	sld [smem:$0x3F9C];
	s0 =	simm.s32 @p0 $0x1  }
0x13: {  	[smem:$0x3FB7] =	sst s0;
	s0 =	simm.s32 @!p1 $0x0  }
0x14: {  	s2 =	sld [smem:$0x3F9B];
	s0 =	simm.s32 @p1 $0x1  }
0x15: {  	[smem:$0x3FB8] =	sst s0;
	s0 =	simm.s32 @!p2 $0x0  }
0x16: {  	s3 =	sld [smem:$0x3FDB];
	s0 =	simm.s32 @p2 $0x1  }
0x17: {  	s4 =	simm.s32 $0x1BF5;
	[smem:$0x3FBA] =	sst s0  }
0x18: {  	s0 =	sld [smem:$0x3F9D];
	_ =	swait.ge [sflag:s4], $0x0  }
0x19: {  	s7 =	sld [smem:$0x3F9E]  }
0x1a: {  	s8 =	sadd.s32 $0xFFFFE003, lr  }
0x1b: {  	s9 =	sadd.s32 $0xFFFFFEF7, lr;
	s5 =	simm.s32 $0xFFFFFFFF;
	p2 =	slt.u32 s8, $0xFFFFF086  }
0x1c: {  	p1 =	slt.u32 s9, $0xF7A;
	s5 =	simm.s32 @!p2 $0x0  }
0x1d: {  	s5 =	simm.s32 @p1 $0x1;
	p0 =	seq.s32 s7, s2  }
0x1e: {  	s7 =	smul.u32 @!p0 $0xF7A, s2;
	p2 =	seq.s32 @!p0 s5, $0x0  }
0x1f: {  	s9 =	smul.u32 $0xF7A, s1;
	s8 =	simm.s32 @!p0 $0x1BF5;
	p2 =	por !p2, p0  }
0x20: {  	[sflag:s8] =	ssyncset.s32 @!p0 $0xFFFFF086;
	s6 =	sadd.s32 @!p0 s3, s7;
	s7 =	simm.s32 @!p0 $0x108  }
0x21: {  	s3 =	sadd.s32 s3, s9;
	s6 =	sadd.s32 @!p0 $0x88, s6;
	s7 =	simm.s32 @p2 $0x1082  }
0x22: {  	[simem:s7], [sflag:s8] =	dma.local @!p0 [hbm:s6], $0xF7A  }
0x23: {  	s9 =	sor.u32 $0xD0000000, s2;
	s6 =	simm.s32 $0x108;
	_ =	swait.ge @!p0 [sflag:s8], $0x0  }
0x24: {  	s3 =	sadd.s32 $0x88, s3;
	s6 =	simm.s32 @!p1 $0x1082;
	[sflag:s4] =	ssyncset.s32 $0xFFFFF086  }
0x25: {  	[simem:s6], [sflag:s4] =	dma.local [hbm:s3], $0xF7A  }
0x26: {  	[smem:$0x3F9E] =	sst s1;
	(tag) =	ssettag s2;
	_ =	strace s9  }
0x27: {  	s1 =	sld [smem:$0x3FAE]  }
0x28: {  	s2 =	sld [smem:$0x3FAF]  }
0x29: {  	s4 =	sld [smem:$0x3FB1]  }
0x2a: {  	p0 =	seq.s32 s5, $0x0;
	s5 =	sld [smem:$0x3FB2]  }
0x2b: {  	s6 =	sld [smem:$0x3FB3]  }
0x2c: {  	s7 =	sld [smem:$0x3FB4]  }
0x2d: {  	s3 =	simm.s32 $0x108;
	s8 =	sld [smem:$0x3FB5]  }
0x2e: {  	s3 =	simm.s32 @!p0 $0x1082;
	s9 =	sld [smem:$0x3FB6]  }
0x2f: {  	lr =	sadd.s32 s0, s3;
	s0 =	sld [smem:$0x3FAD]  }
0x30: {  	s3 =	sld [smem:$0x3FB0]  }
0x31: {  	[smem:$0x3FB9] =	sst s10  }
0x32: {  	s10 =	sld [smem:$0x3FB7];
	_ =	sdelay $0x3  }
0x33: {  	p0 =	seq.s32 s10, $0x1;
	s10 =	sld [smem:$0x3FB9];
	_ =	sdelay $0x3  }
0x34: {  	[smem:$0x3FB9] =	sst s10  }
0x35: {  	s10 =	sld [smem:$0x3FB8];
	_ =	sdelay $0x3  }
0x36: {  	p1 =	seq.s32 s10, $0x1;
	s10 =	sld [smem:$0x3FB9];
	_ =	sdelay $0x3  }
0x37: {  	[smem:$0x3FB9] =	sst s10  }
0x38: {  	s10 =	sld [smem:$0x3FBA]  }
0x39: {  	_ = 	snop;
	(pc) =	sbr.ind lr, $3  }
0x3a: {  	_ = 	snop  }
0x3b: {  	_ = 	snop  }
0x3c: {  	p2 =	seq.s32 s10, $0x1;
	s10 =	sld [smem:$0x3FB9]  }
0x3d: {  	_ =	shalt  }
0x3e: {  	_ =	shalt  }
0x3f: {  	_ =	shalt  }
0x40: {  	_ =	shalt  }
0x41: {  	_ =	shalt  }
0x42: {  	_ =	shalt  }
0x43: {  	_ =	shalt  }
0x44: {  	_ =	shalt  }
0x45: {  	_ =	shalt  }
0x46: {  	_ =	shalt  }
0x47: {  	_ =	shalt  }
0x48: {  	_ =	shalt  }
0x49: {  	_ =	shalt  }
0x4a: {  	_ =	shalt  }
0x4b: {  	_ =	shalt  }
0x4c: {  	_ =	shalt  }
0x4d: {  	_ =	shalt  }
0x4e: {  	_ =	shalt  }
0x4f: {  	_ =	shalt  }
0x50: {  	_ =	shalt  }
0x51: {  	_ =	shalt  }
0x52: {  	_ =	shalt  }
0x53: {  	_ =	shalt  }
0x54: {  	_ =	shalt  }
0x55: {  	_ =	shalt  }
0x56: {  	_ =	shalt  }
0x57: {  	_ =	shalt  }
0x58: {  	_ =	shalt  }
0x59: {  	_ =	shalt  }
0x5a: {  	_ =	shalt  }
0x5b: {  	_ =	shalt  }
0x5c: {  	_ =	shalt  }
0x5d: {  	_ =	shalt  }
0x5e: {  	_ =	shalt  }
0x5f: {  	_ =	shalt  }
0x60: {  	_ =	shalt  }
0x61: {  	_ =	shalt  }
0x62: {  	_ =	shalt  }
0x63: {  	_ =	shalt  }
0x64: {  	_ =	shalt  }
0x65: {  	_ =	shalt  }
0x66: {  	_ =	shalt  }
0x67: {  	_ =	shalt  }
0x68: {  	_ =	shalt  }
0x69: {  	_ =	shalt  }
0x6a: {  	_ =	shalt  }
0x6b: {  	_ =	shalt  }
0x6c: {  	_ =	shalt  }
0x6d: {  	_ =	shalt  }
0x6e: {  	_ =	shalt  }
0x6f: {  	_ =	shalt  }
0x70: {  	_ =	shalt  }
0x71: {  	_ =	shalt  }
0x72: {  	_ =	shalt  }
0x73: {  	_ =	shalt  }
0x74: {  	_ =	shalt  }
0x75: {  	_ =	shalt  }
0x76: {  	_ =	shalt  }
0x77: {  	_ =	shalt  }
0x78: {  	_ =	shalt  }
0x79: {  	_ =	shalt  }
0x7a: {  	_ =	shalt  }
0x7b: {  	_ =	shalt  }
0x7c: {  	_ =	shalt  }
0x7d: {  	_ =	shalt  }
0x7e: {  	_ =	shalt  }
0x7f: {  	_ =	shalt  }
0x80: {  	_ =	shalt  }
0x81: {  	_ =	shalt  }
0x82: {  	_ =	shalt  }
0x83: {  	_ =	shalt  }
0x84: {  	_ =	shalt  }
0x85: {  	_ =	shalt  }
0x86: {  	_ =	shalt  }
0x87: {  	_ =	shalt  }
.Lfunc_end0:
.L_simem_size_0:
called_computation_lowered:
.L_overlay_start_0:
0x88: {  	s2 =	sld [smem:$0x3FD9]  }
0x89: {  	s3 =	sld [smem:$0x3FFE];
	_ =	sdelay $0x1  }
0x8a: {  	s1 =	srdreg.scid  }
0x8b: {  	s0 =	sand.u32 $0x1, s1  }
0x8c: {  	s14 =	sshll.u32 s0, $0xA;
	s2 =	sadd.s32 s3, s2  }
0x8d: {  	s2 =	sadd.s32 s2, s14  }
0x8e: {  	[smem:$0x3FC5] =	sst s2  }
0x8f: {  	_ = 	snop  }
0x90: {  	s2 =	sld [smem:$0x3FD0];
	_ =	sdelay $0x2  }
0x91: {  	s4 =	simm.s32 $0xA;
	s5 =	simm.s32 $0x10;
	s15 =	sld [smem:$0x3FC9]  }
0x92: {  	[smem:s5], [sflag:s4] =	dma.local [hbm:s2], $0x1  }
0x93: {  	_ =	swait.eq [sflag:s4], $0x1  }
0x94: {  	[sflag:s4] =	ssyncset.done $0x0  }
0x95: {  	s16 =	sld [smem:$0x10];
	[sflag:s4] =	ssyncadd.s32 $0xFFFFFFFF  }
0x96: {  	s17 =	sld [smem:$0x11];
	(tm) =	ssettm $0x1  }
0x97: {  	s18 =	sld [smem:$0x3FFB];
	_ =	sdelay $0x3  }
0x98: {  	_ =	strace s18  }
0x99: {  	s5 =	sld [smem:$0x3FFC];
	_ =	sdelay $0x3  }
0x9a: {  	_ =	strace s5  }
0x9b: {  	s5 =	sld [smem:$0x3FFD];
	_ =	sdelay $0x3  }
0x9c: {  	_ =	strace s5  }
0x9d: {  	_ =	strace $0x8FFFFFFF  }
0x9e: {  	s19 =	sld [smem:$0x3FDB];
	_ =	sdelay $0x1  }
0x9f: {  	s6 =	simm.s32 $_scs_section_size  }
0xa0: {  	s7 =	simm.s32 $_size__tile_overlayer_lowered;
	s8 =	simm.s32 $_tile_overlayer_lowered  }
0xa1: {  	s22 =	simm.s32 $0x1BFF;
	s21 =	sshll.u32 s8, $0x1;
	s5 =	sadd.s32 s6, s19  }
0xa2: {  	s9 =	simm.s32 $0x0;
	s20 =	sshll.u32 s7, $0x1;
	s7 =	sadd.s32 s21, s5  }
0xa3: {  	[timem:s9], [sflag:s22] =	dma.local [hbm:s7], s20  }
0xa4: {  	_ =	swait.ge [sflag:s22], s20  }
0xa5: {  	s6 =	ssub.s32 $0x0, s20;
	[sflag:s22] =	ssyncset.done $0x0  }
0xa6: {  	[sflag:s22] =	ssyncadd.s32 s6;
	_ =	sdelay $0x1  }
0xa7: {  	s23 =	simm.s32 $0x1B8B  }
0xa8: {  	_ =	swait.ge [sflag:s23], $0x1  }
0xa9: {  	[sflag:s23] =	ssyncset.done $0x0  }
0xaa: {  	s25 =	simm.s32 $0x1B8E;
	s24 =	sld [smem:$0x3FFE];
	[sflag:s23] =	ssyncadd.s32 $0xFFFFFFFF  }
0xab: {  	s26 =	simm.s32 $execute0_lowered;
	[smem:$0x3FD2] =	sst s25  }
0xac: {  	s7 =	sshll.u32 s26, $0x1;
	_ =	strace $0x80000046;
	[dreg:$0x1] =	wrdreg $0xFFFFFFFF  }
0xad: {  	s28 =	simm.s32 $_size_execute0_lowered;
	s5 =	sadd.s32 s5, s7;
	[dreg:$0x0] =	wrdreg $0x0  }
0xae: {  	s7 =	sshll.u32 s28, $0x1;
	[dreg:$0x2] =	wrdreg s5  }
0xaf: {  	[dreg:$0x3] =	wrdreg s7  }
0xb0: {  	[dreg:$0x4] =	wrdreg $0xC0  }
0xb1: {  	_ =	task [dreg:s9], $0x5FFFF  }
0xb2: {  	[dreg:$0x1] =	wrdreg $0xFFFFFFFF  }
0xb3: {  	[dreg:$0x0] =	wrdreg $0x60  }
0xb4: {  	[dreg:$0x2] =	wrdreg s15  }
0xb5: {  	[dreg:$0x3] =	wrdreg s17  }
0xb6: {  	[dreg:$0x4] =	wrdreg s24  }
0xb7: {  	[dreg:$0x5] =	wrdreg s16  }
0xb8: {  	[dreg:$0x6] =	wrdreg $0x9  }
0xb9: {  	_ =	task.clear_ibuf [dreg:s9], $0x7FFFF;
	_ =	strace $0x90000046  }
0xba: {  	s29 =	simm.s32 $0x9;
	_ =	strace $0x80000048  }
0xbb: {  	_ =	swait.ge [sflag:s29], $0x1  }
0xbc: {  	[sflag:s29] =	ssyncadd.s32 $0xFFFFFFFF  }
0xbd: {  	_ =	strace $0x90000048  }
0xbe: {  	_ =	sfence  }
0xbf: {  	s30 =	sld [smem:$0x0];
	_ =	sdelay $0x2  }
0xc0: {  	s31 =	sshll.u32 s1, $0xD;
	s1 =	sshrl.u32 s1, $0x2  }
0xc1: {  	s3 =	sand.u32 $0x4000, s31;
	s1 =	sadd.s32 s1, s30  }
0xc2: {  	s0 =	sor.u32 s3, s0;
	s1 =	sshll.u32 s1, $0x11  }
0xc3: {  	s0 =	sor.u32 s1, s0  }
0xc4: {  	s0 =	sadd.s32 $0x8F2B, s0  }
0xc5: {  	[sflag:s0] =	ssyncadd.remote.s32 $0x1  }
0xc6: {  	_ =	sfence.sel $0xFFFF  }
0xc7: {  	[dreg:$0x0] =	wrdreg $0xFFFFFFFF;
	(pc) =	sbr.abs _section_cstart, $3  }
0xc8: {  	[dreg:$0x1] =	wrdreg $0xFFFFFFFF  }
0xc9: {  	_ =	task.clear_ibuf [dreg:s9], $0x2FFFF;
	_ =	strace $0x9FFFFFFF  }
0xca: {  	(tm) =	ssettm $0x7FFFFFFF  }
0xcb: {  	_ =	shalt  }
tec
execute0_lowered:
.L_overlay_start_1:
0x0: {  	(tag) =	ssettag $0x1  }
0x1: {  	s0 =	rddreg [dreg:$0x0]  }
0x2: {  	s2 =	rddreg [dreg:$0x1]  }
0x3: {  	s3 =	rddreg [dreg:$0x2]  }
0x4: {  	s14 =	rddreg [dreg:$0x3];
	s1 =	simm.s32 $0x0  }
0x5: {  	s4 =	srdreg.scid;
	s8 =	stileid.u32;
	s16 =	simm.s32 $0x10800  }
0x6: {  	s17 =	simm.s32 $0x5;
	s19 =	simm.s32 $0x8000;
	s20 =	simm.s32 $0x80  }
0x7: {  	s21 =	simm.s32 $0x400;
	s22 =	simm.s32 $0x10000;
	s23 =	simm.s32 $0x1  }
0x8: {  	s24 =	simm.s32 $0x3;
	s28 =	simm.s32 $0x0;
	[smem:$0x7FF] =	sst s1  }
0x9: {  	s5 =	sadd.s32 $0x800, s3;
	s4 =	sand.u32 $0x1, s4;
	s6 =	sshll.u32 s8, $0x3  }
0xa: {  	s8 =	sshll.u32 s8, $0xC;
	_ =	strace $0x80000047;
	s25 =	ssub.s32 $0x2, s4  }
0xb: {  	[dreg:$0x5] =	wrdreg s5;
	s7 =	sshll.u32 s4, $0x2;
	s26 =	sshrl.u32 s25, $0x1  }
0xc: {  	s4 =	sadd.s32 $0xA00, s3;
	s6 =	sor.u32 s7, s6;
	s3 =	ssub.s32 s25, s26  }
0xd: {  	s29 =	sshll.u32 s6, $0x6;
	s9 =	sshll.u32 s6, $0xC;
	s6 =	sshrl.u32 s6, $0x1  }
0xe: {  	s25 =	simm.s32 $0x2;
	s26 =	simm.s32 $0x4;
	s30 =	sor.u32 s8, s29  }
0xf: {  	s5 =	sadd.s32 s0, s9;
	s10 =	sor.u32 $0x1, s6;
	s11 =	sor.u32 $0x1000, s9  }
0x10: {  	s7 =	sand.u32 $0xE300, s30;
	s12 =	sshll.u32 s10, $0x7;
	s6 =	sadd.s32 s0, s11  }
0x11: {  	s13 =	sshll.u32 s10, $0xD;
	s10 =	sadd.s32 s14, s11;
	s7 =	sshrl.u32 s7, $0x3  }
0x12: {  	s12 =	sor.u32 s8, s12;
	s8 =	sadd.s32 s14, s9;
	s9 =	sadd.s32 s0, s13  }
0x13: {  	s15 =	sor.u32 $0x1000, s13;
	s13 =	sadd.s32 s14, s13;
	s31 =	sand.u32 $0xE380, s12  }
0x14: {  	s7 =	sadd.s32 s2, s7;
	s11 =	sadd.s32 s0, s15;
	s12 =	sshrl.u32 s31, $0x3  }
0x15: {  	s14 =	sadd.s32 s14, s15;
	s15 =	smax.u32 s3, $0x1;
	s12 =	sadd.s32 s2, s12  }
.LBB2_1:
0x16: {  	s0 =	rddreg [dreg:$0x5]  }
0x17: {  	[tilespmem:s16], [sflag:$0x5] =	stream.linear.gather [hbm4b:s0+s1], $0x800, $0x38;
	[tilespmem:$0x11080] =	vst v63  }
0x18: {  	_ =	swait.ge [sflag:s17], $0x800  }
0x19: {  	[sflag:s17] =	ssyncset.done $0x0  }
0x1a: {  	s31 =	simm.s32 $0x11000;
	[sflag:s17] =	ssyncadd.s32 $0xFFFFF800  }
0x1b: {  	[tilespmem:s31], [sflag:$0x5] =	stream.linear.gather [hbm4b:s4+s1], $0x80, $0x38;
	[tilespmem:$0x11080] =	vst v63  }
0x1c: {  	_ =	swait.ge [sflag:s17], $0x80  }
0x1d: {  	[sflag:s17] =	ssyncset.done $0x0  }
0x1e: {  	[sflag:s17] =	ssyncadd.s32 $0xFFFFFF80  }
0x1f: {  	v0 =	vld [tilespmem:$0x11000];
	[tilespmem:s1], [sflag:$0x1] =	stream.linear.gather [hbm4b:s5+s1], $0x8000, $0x38  }
0x20: {  	_ = 	snop  }
0x21: {  	[tilespmem:s19], [sflag:$0x2] =	stream.linear.gather [hbm4b:s6+s1], $0x8000, $0x38;
	[tilespmem:$0x11080] =	vst v63  }
0x22: {  	_ = 	snop  }
0x23: {  	[tilespmem:s22], [sflag:$0x5] =	stream.strided.gather [hbm4b:s7+s20], $0x400, s21, s20, $0x38;
	[tilespmem:$0x11080] =	vst v63  }
0x24: {  	_ =	swait.ge [sflag:s17], $0x400  }
0x25: {  	[sflag:s17] =	ssyncset.done $0x0  }
0x26: {  	s3 =	simm.s32 $0x10040;
	[sflag:s17] =	ssyncadd.s32 $0xFFFFFC00  }
0x27: {  	v4 =	vld [tilespmem:s3+$0x30]  }
0x28: {  	v5 =	vld [tilespmem:s3+$0xFFFFFFD0]  }
0x29: {  	v6 =	vld [tilespmem:s3+$0xFFFFFFE0]  }
0x2a: {  	v3 =	vld [tilespmem:s3+$0xFFFFFFF0]  }
0x2b: {  	v1 =	vld [tilespmem:s3+$0x0]  }
0x2c: {  	s0 =	simm.s32 $0x10440;
	v2 =	vld [tilespmem:s3+$0x10];
	v7 =	vand.u32 $0x1F, v4  }
0x2d: {  	v8 =	vand.u32 $0x1F, v5;
	v4 =	vld [tilespmem:s3+$0x20];
	[tilespmem:s0+$0x30] =	vst v7  }
0x2e: {  	s2 =	simm.s32 $0x0;
	v5 =	vld [tilespmem:s3+$0xFFFFFFC0];
	v6 =	vand.u32 $0x1F, v6;
	s3 =	simm.s32 $0x100C0;
	[tilespmem:s0+$0xFFFFFFD0] =	vst v8  }
.LBB2_2:
0x2f: {  	v7 =	vld [tilespmem:s3+$0x30];
	s2 =	sadd.s32 $0x8, s2;
	[tilespmem:s0+$0xFFFFFFE0] =	vst v6;
	v3 =	vand.u32 $0x1F, v3  }
0x30: {  	v6 =	vld [tilespmem:s3+$0xFFFFFFD0];
	p0 =	slt.u32 s2, $0x38;
	[tilespmem:s0+$0xFFFFFFF0] =	vst v3;
	v1 =	vand.u32 $0x1F, v1  }
0x31: {  	v8 =	vld [tilespmem:s3+$0xFFFFFFE0];
	[tilespmem:s0+$0x0] =	vst v1;
	v1 =	vand.u32 $0x1F, v2  }
.Ltmp0:
0x32: {  	v3 =	vld [tilespmem:s3+$0xFFFFFFF0];
	[tilespmem:s0+$0x10] =	vst v1;
	v2 =	vand.u32 $0x1F, v4;
	(pc) =	sbr.rel @p0 .LBB2_2-.Ltmp0, $4  }
0x33: {  	v1 =	vld [tilespmem:s3+$0x0];
	v4 =	vand.u32 $0x1F, v5;
	[tilespmem:s0+$0x20] =	vst v2  }
0x34: {  	v2 =	vld [tilespmem:s3+$0x10];
	v5 =	vand.u32 $0x1F, v7;
	[tilespmem:s0+$0xFFFFFFC0] =	vst v4;
	s0 =	sadd.s32 $0x80, s0  }
0x35: {  	v6 =	vand.u32 $0x1F, v6;
	v4 =	vld [tilespmem:s3+$0x20];
	[tilespmem:s0+$0x30] =	vst v5  }
0x36: {  	v5 =	vld [tilespmem:s3+$0xFFFFFFC0];
	[tilespmem:s0+$0xFFFFFFD0] =	vst v6;
	v6 =	vand.u32 $0x1F, v8;
	s3 =	sadd.s32 $0x80, s3  }
0x37: {  	[tilespmem:s0+$0xFFFFFFE0] =	vst v6;
	v3 =	vand.u32 $0x1F, v3  }
0x38: {  	[tilespmem:s0+$0xFFFFFFF0] =	vst v3;
	v1 =	vand.u32 $0x1F, v1  }
0x39: {  	[tilespmem:s0+$0x0] =	vst v1;
	v1 =	vand.u32 $0x1F, v2  }
0x3a: {  	[tilespmem:s0+$0x10] =	vst v1;
	v1 =	vand.u32 $0x1F, v4  }
0x3b: {  	v2 =	vand.u32 $0x1F, v5;
	[tilespmem:s0+$0x20] =	vst v1  }
0x3c: {  	[tilespmem:s0+$0xFFFFFFC0] =	vst v2  }
0x3d: {  	_ =	swait.ge [sflag:s23], $0x8000  }
0x3e: {  	s29 =	simm.s32 $0x0;
	v1 =	vsub.f32 $1.000000000e+00, v0;
	[sflag:s23] =	ssyncset.done $0x0  }
0x3f: {  	s30 =	simm.s32 $0x0;
	s31 =	simm.s32 $0x0;
	[sflag:s23] =	ssyncadd.s32 $0xFFFF8000  }
.LBB2_4:
0x40: {  	s0 =	simm.s32 $0x10440  }
0x41: {  	v3 =	vld [tilespmem:s0+$0x30]  }
0x42: {  	v4 =	vld [tilespmem:s0+$0xFFFFFFD0]  }
0x43: {  	v5 =	vld [tilespmem:s0+$0xFFFFFFE0]  }
0x44: {  	s2 =	sshll.u32 s31, $0x5;
	s18 =	sshll.u32 s30, $0x2;
	s3 =	sand.u32 $0x7, s29;
	v6 =	vld [tilespmem:s0+$0xFFFFFFF0]  }
0x45: {  	v2 =	vmov s2;
	v7 =	vld [tilespmem:s0+$0x0];
	s2 =	sand.u32 $0xFFFF8000, s18;
	s3 =	sshll.u32 s3, $0x9  }
0x46: {  	v9 =	vld [tilespmem:s0+$0xFFFFFFC0];
	s2 =	sor.u32 s3, s2;
	v3 =	vadd.s32 v2, v3  }
0x47: {  	v8 =	vld [tilespmem:s0+$0x10];
	s18 =	sshrl.u32 s2, $0x2;
	v4 =	vadd.s32 v2, v4  }
0x48: {  	v10 =	vld [tilespmem:s0+$0x20];
	s0 =	sor.u32 $0x40, s18;
	v5 =	vadd.s32 v2, v5  }
0x49: {  	v11 =	vld [tilespmem:s0+$0x30];
	v6 =	vadd.s32 v2, v6  }
0x4a: {  	v13 =	vld [tilespmem:s0+$0xFFFFFFC0];
	v7 =	vadd.s32 v2, v7  }
0x4b: {  	v9 =	vadd.s32 v2, v9;
	v3 =	vld.idx.msk [tilespmem:v3+s16+$0x0], $0xffff  }
0x4c: {  	v8 =	vadd.s32 v2, v8;
	v4 =	vld.idx.msk [tilespmem:v4+s16+$0x0], $0xffff  }
0x4d: {  	v10 =	vadd.s32 v2, v10;
	v5 =	vld.idx.msk [tilespmem:v5+s16+$0x0], $0xffff  }
0x4e: {  	v12 =	vld.idx.msk [tilespmem:v6+s16+$0x0], $0xffff  }
0x4f: {  	v14 =	vld.idx.msk [tilespmem:v7+s16+$0x0], $0xffff  }
0x50: {  	v16 =	vld.idx.msk [tilespmem:v9+s16+$0x0], $0xffff  }
0x51: {  	v15 =	vld.idx.msk [tilespmem:v8+s16+$0x0], $0xffff  }
0x52: {  	v6 =	vld.idx.msk [tilespmem:v10+s16+$0x0], $0xffff;
	v8 =	vmul.f32 v11, v0;
	v3 =	vmul.f32 v3, v1  }
0x53: {  	v9 =	vld [tilespmem:s0+$0xFFFFFFD0]  }
0x54: {  	v10 =	vld [tilespmem:s0+$0xFFFFFFE0];
	v7 =	vmul.f32 v4, v1;
	v4 =	vmul.f32 v14, v1;
	v3 =	vadd.f32 v8, v3  }
0x55: {  	v11 =	vld [tilespmem:s0+$0xFFFFFFF0];
	v14 =	vmul.f32 v16, v1;
	v8 =	vmul.f32 v5, v1  }
0x56: {  	s3 =	simm.s32 $0x104C0;
	s18 =	simm.s32 $0x0;
	s2 =	smov.u32 s0;
	v5 =	vmul.f32 v12, v1;
	v12 =	vld [tilespmem:s0+$0x0];
	[tilespmem:s0+$0x30] =	vst v3;
	v3 =	vmul.f32 v15, v1  }
.LBB2_5:
0x57: {  	v15 =	vld [tilespmem:s3+$0x30];
	s18 =	sadd.s32 $0x8, s18;
	v13 =	vmul.f32 v13, v0;
	v6 =	vmul.f32 v6, v1  }
0x58: {  	v16 =	vld [tilespmem:s3+$0xFFFFFFD0];
	p0 =	slt.u32 s18, $0x38;
	v9 =	vmul.f32 v9, v0  }
0x59: {  	v17 =	vld [tilespmem:s3+$0xFFFFFFE0];
	v13 =	vadd.f32 v13, v14;
	v10 =	vmul.f32 v10, v0  }
0x5a: {  	v14 =	vld [tilespmem:s3+$0xFFFFFFF0];
	v7 =	vadd.f32 v9, v7;
	v9 =	vmul.f32 v11, v0  }
0x5b: {  	v11 =	vld [tilespmem:s3+$0x0];
	[tilespmem:s0+$0xFFFFFFC0] =	vst v13;
	v8 =	vadd.f32 v10, v8;
	v10 =	vmul.f32 v12, v0  }
0x5c: {  	v12 =	vld [tilespmem:s3+$0x10];
	v13 =	vadd.s32 v2, v15;
	[tilespmem:s0+$0xFFFFFFD0] =	vst v7;
	v5 =	vadd.f32 v9, v5  }
0x5d: {  	v7 =	vadd.s32 v2, v16;
	v9 =	vld [tilespmem:s3+$0x20];
	[tilespmem:s0+$0xFFFFFFE0] =	vst v8;
	v4 =	vadd.f32 v10, v4  }
0x5e: {  	v8 =	vld [tilespmem:s3+$0xFFFFFFC0];
	v10 =	vadd.s32 v2, v17;
	[tilespmem:s0+$0xFFFFFFF0] =	vst v5  }
0x5f: {  	v5 =	vadd.s32 v2, v14;
	[tilespmem:s0+$0x0] =	vst v4;
	v4 =	vld [tilespmem:s0+$0x10]  }
0x60: {  	v11 =	vadd.s32 v2, v11;
	v14 =	vld [tilespmem:s0+$0x20]  }
0x61: {  	s0 =	sadd.s32 $0x400, s0;
	v12 =	vadd.s32 v2, v12;
	v13 =	vld.idx.msk [tilespmem:v13+s16+$0x0], $0xffff  }
0x62: {  	v9 =	vadd.s32 v2, v9;
	v15 =	vld [tilespmem:s0+$0x30]  }
0x63: {  	v8 =	vadd.s32 v2, v8;
	v7 =	vld.idx.msk [tilespmem:v7+s16+$0x0], $0xffff  }
0x64: {  	v10 =	vld.idx.msk [tilespmem:v10+s16+$0x0], $0xffff;
	v4 =	vmul.f32 v4, v0  }
0x65: {  	v5 =	vld.idx.msk [tilespmem:v5+s16+$0x0], $0xffff;
	v14 =	vmul.f32 v14, v0  }
0x66: {  	v11 =	vld.idx.msk [tilespmem:v11+s16+$0x0], $0xffff;
	v3 =	vadd.f32 v4, v3  }
0x67: {  	v13 =	vmul.f32 v13, v1;
	v12 =	vld.idx.msk [tilespmem:v12+s16+$0x0], $0xffff;
	v4 =	vmul.f32 v15, v0;
	v14 =	vadd.f32 v14, v6  }
0x68: {  	v15 =	vld.idx.msk [tilespmem:v8+s16+$0x0], $0xffff;
	[tilespmem:s2+$0x10] =	vst v3  }
0x69: {  	v7 =	vmul.f32 v7, v1;
	v6 =	vld.idx.msk [tilespmem:v9+s16+$0x0], $0xffff;
	v3 =	vadd.f32 v4, v13;
	[tilespmem:s2+$0x20] =	vst v14;
	s2 =	smov.u32 s0  }
.Ltmp1:
0x6a: {  	v8 =	vmul.f32 v10, v1;
	v13 =	vld [tilespmem:s0+$0xFFFFFFC0];
	(pc) =	sbr.rel @p0 .LBB2_5-.Ltmp1, $4  }
0x6b: {  	v5 =	vmul.f32 v5, v1;
	v9 =	vld [tilespmem:s0+$0xFFFFFFD0];
	[tilespmem:s0+$0x30] =	vst v3  }
0x6c: {  	v4 =	vmul.f32 v11, v1;
	v10 =	vld [tilespmem:s0+$0xFFFFFFE0]  }
0x6d: {  	v3 =	vmul.f32 v12, v1;
	v11 =	vld [tilespmem:s0+$0xFFFFFFF0]  }
0x6e: {  	s3 =	sadd.s32 $0x80, s3;
	v14 =	vmul.f32 v15, v1;
	v12 =	vld [tilespmem:s0+$0x0]  }
0x6f: {  	v2 =	vmul.f32 v13, v0;
	v59 =	vld [tilespmem:s0+$0x10]  }
0x70: {  	v15 =	vld [tilespmem:s0+$0x20];
	v9 =	vmul.f32 v9, v0  }
0x71: {  	v2 =	vadd.f32 v2, v14;
	v10 =	vmul.f32 v10, v0  }
0x72: {  	v7 =	vadd.f32 v9, v7;
	v60 =	vmul.f32 v11, v0  }
0x73: {  	s31 =	sadd.s32 $0x1, s31;
	[tilespmem:s0+$0xFFFFFFC0] =	vst v2;
	v2 =	vadd.f32 v10, v8;
	v61 =	vmul.f32 v12, v0  }
0x74: {  	p0 =	sne.s32 s31, $0x20;
	[tilespmem:s0+$0xFFFFFFD0] =	vst v7;
	v5 =	vadd.f32 v60, v5;
	v62 =	vmul.f32 v59, v0  }
.Ltmp2:
0x75: {  	v6 =	vmul.f32 v6, v1;
	v63 =	vmul.f32 v15, v0;
	[tilespmem:s0+$0xFFFFFFE0] =	vst v2;
	v2 =	vadd.f32 v61, v4;
	(pc) =	sbr.rel @p0 .LBB2_4-.Ltmp2, $4  }
0x76: {  	[tilespmem:s0+$0xFFFFFFF0] =	vst v5;
	v3 =	vadd.f32 v62, v3  }
0x77: {  	[tilespmem:s0+$0x0] =	vst v2;
	v2 =	vadd.f32 v63, v6  }
0x78: {  	[tilespmem:s2+$0x10] =	vst v3  }
0x79: {  	s30 =	sadd.s32 $0x400, s30;
	s29 =	sadd.s32 $0x1, s29;
	[tilespmem:s2+$0x20] =	vst v2  }
0x7a: {  	[hbm4b:s8+s1] =	stream.linear.scatter [tilespmem:s1], [sflag:$0x3], $0x8000, $0x38;
	[tilespmem:$0x11080] =	vst v63  }
0x7b: {  	_ =	swait.ge [sflag:s24], $0x8000  }
0x7c: {  	[sflag:s24] =	ssyncset.done $0x0  }
0x7d: {  	[sflag:s24] =	ssyncadd.s32 $0xFFFF8000  }
0x7e: {  	[tilespmem:s1], [sflag:$0x1] =	stream.linear.gather [hbm4b:s9+s1], $0x8000, $0x38;
	[tilespmem:$0x11080] =	vst v63  }
0x7f: {  	_ = 	snop  }
0x80: {  	[tilespmem:s22], [sflag:$0x5] =	stream.strided.gather [hbm4b:s7+s20], $0x400, s21, s20, $0x38;
	[tilespmem:$0x11080] =	vst v63  }
0x81: {  	_ =	swait.ge [sflag:s17], $0x400  }
0x82: {  	[sflag:s17] =	ssyncset.done $0x0  }
0x83: {  	s3 =	simm.s32 $0x10040;
	[sflag:s17] =	ssyncadd.s32 $0xFFFFFC00  }
0x84: {  	v4 =	vld [tilespmem:s3+$0x30]  }
0x85: {  	v6 =	vld [tilespmem:s3+$0xFFFFFFD0]  }
0x86: {  	v8 =	vld [tilespmem:s3+$0xFFFFFFE0]  }
0x87: {  	v5 =	vld [tilespmem:s3+$0xFFFFFFF0]  }
0x88: {  	v3 =	vld [tilespmem:s3+$0x0]  }
0x89: {  	v2 =	vld [tilespmem:s3+$0x10];
	v7 =	vshrl.u32 v4, $0x5  }
0x8a: {  	s0 =	simm.s32 $0x10440;
	v9 =	vshrl.u32 v6, $0x5;
	v4 =	vld [tilespmem:s3+$0x20];
	v10 =	vand.u32 $0x1F, v7  }
0x8b: {  	s2 =	simm.s32 $0x0;
	v6 =	vld [tilespmem:s3+$0xFFFFFFC0];
	v8 =	vshrl.u32 v8, $0x5;
	s3 =	simm.s32 $0x100C0;
	v7 =	vand.u32 $0x1F, v9;
	[tilespmem:s0+$0x30] =	vst v10  }
.LBB2_8:
0x8c: {  	v9 =	vld [tilespmem:s3+$0x30];
	s2 =	sadd.s32 $0x8, s2;
	[tilespmem:s0+$0xFFFFFFD0] =	vst v7;
	v7 =	vand.u32 $0x1F, v8;
	v5 =	vshrl.u32 v5, $0x5  }
0x8d: {  	v8 =	vld [tilespmem:s3+$0xFFFFFFD0];
	p0 =	slt.u32 s2, $0x38;
	[tilespmem:s0+$0xFFFFFFE0] =	vst v7;
	v5 =	vand.u32 $0x1F, v5;
	v3 =	vshrl.u32 v3, $0x5  }
0x8e: {  	v10 =	vld [tilespmem:s3+$0xFFFFFFE0];
	[tilespmem:s0+$0xFFFFFFF0] =	vst v5;
	v3 =	vand.u32 $0x1F, v3;
	v2 =	vshrl.u32 v2, $0x5  }
.Ltmp3:
0x8f: {  	v5 =	vld [tilespmem:s3+$0xFFFFFFF0];
	[tilespmem:s0+$0x0] =	vst v3;
	v2 =	vand.u32 $0x1F, v2;
	v4 =	vshrl.u32 v4, $0x5;
	(pc) =	sbr.rel @p0 .LBB2_8-.Ltmp3, $4  }
0x90: {  	v3 =	vld [tilespmem:s3+$0x0];
	v6 =	vshrl.u32 v6, $0x5;
	[tilespmem:s0+$0x10] =	vst v2;
	v4 =	vand.u32 $0x1F, v4  }
0x91: {  	v2 =	vld [tilespmem:s3+$0x10];
	v7 =	vshrl.u32 v9, $0x5;
	v6 =	vand.u32 $0x1F, v6;
	[tilespmem:s0+$0x20] =	vst v4  }
0x92: {  	v8 =	vshrl.u32 v8, $0x5;
	v4 =	vld [tilespmem:s3+$0x20];
	v9 =	vand.u32 $0x1F, v7;
	[tilespmem:s0+$0xFFFFFFC0] =	vst v6;
	s0 =	sadd.s32 $0x80, s0  }
0x93: {  	v6 =	vld [tilespmem:s3+$0xFFFFFFC0];
	v7 =	vand.u32 $0x1F, v8;
	v8 =	vshrl.u32 v10, $0x5;
	[tilespmem:s0+$0x30] =	vst v9;
	s3 =	sadd.s32 $0x80, s3  }
0x94: {  	[tilespmem:s0+$0xFFFFFFD0] =	vst v7;
	v62 =	vand.u32 $0x1F, v8;
	v5 =	vshrl.u32 v5, $0x5  }
0x95: {  	[tilespmem:s0+$0xFFFFFFE0] =	vst v62;
	v5 =	vand.u32 $0x1F, v5;
	v3 =	vshrl.u32 v3, $0x5  }
0x96: {  	[tilespmem:s0+$0xFFFFFFF0] =	vst v5;
	v3 =	vand.u32 $0x1F, v3;
	v2 =	vshrl.u32 v2, $0x5  }
0x97: {  	[tilespmem:s0+$0x0] =	vst v3;
	v2 =	vand.u32 $0x1F, v2;
	v3 =	vshrl.u32 v4, $0x5  }
0x98: {  	v63 =	vshrl.u32 v6, $0x5;
	[tilespmem:s0+$0x10] =	vst v2;
	v2 =	vand.u32 $0x1F, v3  }
0x99: {  	v3 =	vand.u32 $0x1F, v63;
	[tilespmem:s0+$0x20] =	vst v2  }
0x9a: {  	[tilespmem:s0+$0xFFFFFFC0] =	vst v3  }
0x9b: {  	_ =	swait.ge [sflag:s25], $0x8000  }
0x9c: {  	s29 =	simm.s32 $0x0;
	[sflag:s25] =	ssyncset.done $0x0  }
0x9d: {  	s30 =	simm.s32 $0x0;
	s31 =	simm.s32 $0x0;
	[sflag:s25] =	ssyncadd.s32 $0xFFFF8000  }
.LBB2_10:
0x9e: {  	s0 =	simm.s32 $0x10440  }
0x9f: {  	v3 =	vld [tilespmem:s0+$0x30]  }
0xa0: {  	v4 =	vld [tilespmem:s0+$0xFFFFFFD0]  }
0xa1: {  	s2 =	sshll.u32 s31, $0x5;
	v5 =	vld [tilespmem:s0+$0xFFFFFFE0]  }
0xa2: {  	s18 =	sshll.u32 s30, $0x2;
	s3 =	sand.u32 $0x7, s29;
	s2 =	sadd.s32 $0x400, s2;
	v6 =	vld [tilespmem:s0+$0xFFFFFFF0]  }
0xa3: {  	v7 =	vld [tilespmem:s0+$0x0];
	s3 =	sshll.u32 s3, $0x9;
	v2 =	vmov s2;
	s2 =	sand.u32 $0xFFFF8000, s18  }
0xa4: {  	v9 =	vld [tilespmem:s0+$0xFFFFFFC0];
	s2 =	sor.u32 s3, s2;
	v3 =	vadd.s32 v2, v3  }
0xa5: {  	v8 =	vld [tilespmem:s0+$0x10];
	s18 =	sshrl.u32 s2, $0x2;
	v4 =	vadd.s32 v2, v4  }
0xa6: {  	v10 =	vld [tilespmem:s0+$0x20];
	s0 =	sadd.s32 $0x8000, s18;
	v5 =	vadd.s32 v2, v5  }
0xa7: {  	v6 =	vadd.s32 v2, v6;
	v11 =	vld [tilespmem:s0+$0x70]  }
0xa8: {  	v7 =	vadd.s32 v2, v7;
	v13 =	vld [tilespmem:s0+$0x0]  }
0xa9: {  	v9 =	vadd.s32 v2, v9;
	v3 =	vld.idx.msk [tilespmem:v3+s16+$0x0], $0xffff  }
0xaa: {  	v8 =	vadd.s32 v2, v8;
	v4 =	vld.idx.msk [tilespmem:v4+s16+$0x0], $0xffff  }
0xab: {  	v10 =	vadd.s32 v2, v10;
	v5 =	vld.idx.msk [tilespmem:v5+s16+$0x0], $0xffff  }
0xac: {  	v12 =	vld.idx.msk [tilespmem:v6+s16+$0x0], $0xffff  }
0xad: {  	v14 =	vld.idx.msk [tilespmem:v7+s16+$0x0], $0xffff  }
0xae: {  	v16 =	vld.idx.msk [tilespmem:v9+s16+$0x0], $0xffff  }
0xaf: {  	v15 =	vld.idx.msk [tilespmem:v8+s16+$0x0], $0xffff  }
0xb0: {  	v6 =	vld.idx.msk [tilespmem:v10+s16+$0x0], $0xffff;
	v8 =	vmul.f32 v11, v0;
	v3 =	vmul.f32 v3, v1  }
0xb1: {  	v9 =	vld [tilespmem:s0+$0x10]  }
0xb2: {  	v10 =	vld [tilespmem:s0+$0x20];
	v7 =	vmul.f32 v4, v1;
	v4 =	vmul.f32 v14, v1;
	v3 =	vadd.f32 v8, v3  }
0xb3: {  	v11 =	vld [tilespmem:s0+$0x30];
	v14 =	vmul.f32 v16, v1;
	v8 =	vmul.f32 v5, v1  }
0xb4: {  	s3 =	simm.s32 $0x104C0;
	s18 =	simm.s32 $0x0;
	s2 =	smov.u32 s0;
	v5 =	vmul.f32 v12, v1;
	v12 =	vld [tilespmem:s0+$0x40];
	[tilespmem:s0+$0x70] =	vst v3;
	v3 =	vmul.f32 v15, v1  }
.LBB2_11:
0xb5: {  	v15 =	vld [tilespmem:s3+$0x30];
	s18 =	sadd.s32 $0x8, s18;
	v13 =	vmul.f32 v13, v0;
	v6 =	vmul.f32 v6, v1  }
0xb6: {  	v16 =	vld [tilespmem:s3+$0xFFFFFFD0];
	p0 =	slt.u32 s18, $0x38;
	v9 =	vmul.f32 v9, v0  }
0xb7: {  	v17 =	vld [tilespmem:s3+$0xFFFFFFE0];
	v13 =	vadd.f32 v13, v14;
	v10 =	vmul.f32 v10, v0  }
0xb8: {  	v14 =	vld [tilespmem:s3+$0xFFFFFFF0];
	v7 =	vadd.f32 v9, v7;
	v9 =	vmul.f32 v11, v0  }
0xb9: {  	v11 =	vld [tilespmem:s3+$0x0];
	[tilespmem:s0+$0x0] =	vst v13;
	v8 =	vadd.f32 v10, v8;
	v10 =	vmul.f32 v12, v0  }
0xba: {  	v12 =	vld [tilespmem:s3+$0x10];
	v13 =	vadd.s32 v2, v15;
	[tilespmem:s0+$0x10] =	vst v7;
	v5 =	vadd.f32 v9, v5  }
0xbb: {  	v7 =	vadd.s32 v2, v16;
	v9 =	vld [tilespmem:s3+$0x20];
	[tilespmem:s0+$0x20] =	vst v8;
	v4 =	vadd.f32 v10, v4  }
0xbc: {  	v8 =	vld [tilespmem:s3+$0xFFFFFFC0];
	v10 =	vadd.s32 v2, v17;
	[tilespmem:s0+$0x30] =	vst v5  }
0xbd: {  	v5 =	vadd.s32 v2, v14;
	[tilespmem:s0+$0x40] =	vst v4;
	v4 =	vld [tilespmem:s0+$0x50]  }
0xbe: {  	v11 =	vadd.s32 v2, v11;
	v14 =	vld [tilespmem:s0+$0x60]  }
0xbf: {  	s0 =	sadd.s32 $0x400, s0;
	v12 =	vadd.s32 v2, v12;
	v13 =	vld.idx.msk [tilespmem:v13+s16+$0x0], $0xffff  }
0xc0: {  	v9 =	vadd.s32 v2, v9;
	v15 =	vld [tilespmem:s0+$0x70]  }
0xc1: {  	v8 =	vadd.s32 v2, v8;
	v7 =	vld.idx.msk [tilespmem:v7+s16+$0x0], $0xffff  }
0xc2: {  	v10 =	vld.idx.msk [tilespmem:v10+s16+$0x0], $0xffff;
	v4 =	vmul.f32 v4, v0  }
0xc3: {  	v5 =	vld.idx.msk [tilespmem:v5+s16+$0x0], $0xffff;
	v14 =	vmul.f32 v14, v0  }
0xc4: {  	v11 =	vld.idx.msk [tilespmem:v11+s16+$0x0], $0xffff;
	v3 =	vadd.f32 v4, v3  }
0xc5: {  	v13 =	vmul.f32 v13, v1;
	v12 =	vld.idx.msk [tilespmem:v12+s16+$0x0], $0xffff;
	v4 =	vmul.f32 v15, v0;
	v14 =	vadd.f32 v14, v6  }
0xc6: {  	v15 =	vld.idx.msk [tilespmem:v8+s16+$0x0], $0xffff;
	[tilespmem:s2+$0x50] =	vst v3  }
0xc7: {  	v7 =	vmul.f32 v7, v1;
	v6 =	vld.idx.msk [tilespmem:v9+s16+$0x0], $0xffff;
	v3 =	vadd.f32 v4, v13;
	[tilespmem:s2+$0x60] =	vst v14;
	s2 =	smov.u32 s0  }
.Ltmp4:
0xc8: {  	v8 =	vmul.f32 v10, v1;
	v13 =	vld [tilespmem:s0+$0x0];
	(pc) =	sbr.rel @p0 .LBB2_11-.Ltmp4, $4  }
0xc9: {  	v5 =	vmul.f32 v5, v1;
	v9 =	vld [tilespmem:s0+$0x10];
	[tilespmem:s0+$0x70] =	vst v3  }
0xca: {  	v4 =	vmul.f32 v11, v1;
	v10 =	vld [tilespmem:s0+$0x20]  }
0xcb: {  	v3 =	vmul.f32 v12, v1;
	v11 =	vld [tilespmem:s0+$0x30]  }
0xcc: {  	s3 =	sadd.s32 $0x80, s3;
	v14 =	vmul.f32 v15, v1;
	v12 =	vld [tilespmem:s0+$0x40]  }
0xcd: {  	v2 =	vmul.f32 v13, v0;
	v59 =	vld [tilespmem:s0+$0x50]  }
0xce: {  	v15 =	vld [tilespmem:s0+$0x60];
	v9 =	vmul.f32 v9, v0  }
0xcf: {  	v2 =	vadd.f32 v2, v14;
	v10 =	vmul.f32 v10, v0  }
0xd0: {  	v7 =	vadd.f32 v9, v7;
	v60 =	vmul.f32 v11, v0  }
0xd1: {  	s31 =	sadd.s32 $0x1, s31;
	[tilespmem:s0+$0x0] =	vst v2;
	v2 =	vadd.f32 v10, v8;
	v61 =	vmul.f32 v12, v0  }
0xd2: {  	p0 =	sne.s32 s31, $0x20;
	[tilespmem:s0+$0x10] =	vst v7;
	v5 =	vadd.f32 v60, v5;
	v62 =	vmul.f32 v59, v0  }
.Ltmp5:
0xd3: {  	v6 =	vmul.f32 v6, v1;
	v63 =	vmul.f32 v15, v0;
	[tilespmem:s0+$0x20] =	vst v2;
	v2 =	vadd.f32 v61, v4;
	(pc) =	sbr.rel @p0 .LBB2_10-.Ltmp5, $4  }
0xd4: {  	[tilespmem:s0+$0x30] =	vst v5;
	v3 =	vadd.f32 v62, v3  }
0xd5: {  	[tilespmem:s0+$0x40] =	vst v2;
	v2 =	vadd.f32 v63, v6  }
0xd6: {  	[tilespmem:s2+$0x50] =	vst v3  }
0xd7: {  	s30 =	sadd.s32 $0x400, s30;
	s29 =	sadd.s32 $0x1, s29;
	[tilespmem:s2+$0x60] =	vst v2  }
0xd8: {  	[hbm4b:s10+s1] =	stream.linear.scatter [tilespmem:s19], [sflag:$0x4], $0x8000, $0x38;
	[tilespmem:$0x11080] =	vst v63  }
0xd9: {  	_ =	swait.ge [sflag:s26], $0x8000  }
0xda: {  	[sflag:s26] =	ssyncset.done $0x0  }
0xdb: {  	[sflag:s26] =	ssyncadd.s32 $0xFFFF8000  }
0xdc: {  	[tilespmem:s19], [sflag:$0x2] =	stream.linear.gather [hbm4b:s11+s1], $0x8000, $0x38;
	[tilespmem:$0x11080] =	vst v63  }
0xdd: {  	_ = 	snop  }
0xde: {  	[tilespmem:s22], [sflag:$0x5] =	stream.strided.gather [hbm4b:s12+s20], $0x400, s21, s20, $0x38;
	[tilespmem:$0x11080] =	vst v63  }
0xdf: {  	_ =	swait.ge [sflag:s17], $0x400  }
0xe0: {  	[sflag:s17] =	ssyncset.done $0x0  }
0xe1: {  	s3 =	simm.s32 $0x10040;
	[sflag:s17] =	ssyncadd.s32 $0xFFFFFC00  }
0xe2: {  	v5 =	vld [tilespmem:s3+$0x30]  }
0xe3: {  	v6 =	vld [tilespmem:s3+$0xFFFFFFD0]  }
0xe4: {  	v7 =	vld [tilespmem:s3+$0xFFFFFFE0]  }
0xe5: {  	v4 =	vld [tilespmem:s3+$0xFFFFFFF0]  }
0xe6: {  	v2 =	vld [tilespmem:s3+$0x0]  }
0xe7: {  	s0 =	simm.s32 $0x10440;
	v3 =	vld [tilespmem:s3+$0x10];
	v8 =	vand.u32 $0x1F, v5  }
0xe8: {  	v9 =	vand.u32 $0x1F, v6;
	v5 =	vld [tilespmem:s3+$0x20];
	[tilespmem:s0+$0x30] =	vst v8  }
0xe9: {  	s2 =	simm.s32 $0x0;
	v6 =	vld [tilespmem:s3+$0xFFFFFFC0];
	v7 =	vand.u32 $0x1F, v7;
	s3 =	simm.s32 $0x100C0;
	[tilespmem:s0+$0xFFFFFFD0] =	vst v9  }
.LBB2_14:
0xea: {  	v8 =	vld [tilespmem:s3+$0x30];
	s2 =	sadd.s32 $0x8, s2;
	[tilespmem:s0+$0xFFFFFFE0] =	vst v7;
	v4 =	vand.u32 $0x1F, v4  }
0xeb: {  	v7 =	vld [tilespmem:s3+$0xFFFFFFD0];
	p0 =	slt.u32 s2, $0x38;
	[tilespmem:s0+$0xFFFFFFF0] =	vst v4;
	v2 =	vand.u32 $0x1F, v2  }
0xec: {  	v9 =	vld [tilespmem:s3+$0xFFFFFFE0];
	[tilespmem:s0+$0x0] =	vst v2;
	v2 =	vand.u32 $0x1F, v3  }
.Ltmp6:
0xed: {  	v4 =	vld [tilespmem:s3+$0xFFFFFFF0];
	[tilespmem:s0+$0x10] =	vst v2;
	v3 =	vand.u32 $0x1F, v5;
	(pc) =	sbr.rel @p0 .LBB2_14-.Ltmp6, $4  }
0xee: {  	v2 =	vld [tilespmem:s3+$0x0];
	v5 =	vand.u32 $0x1F, v6;
	[tilespmem:s0+$0x20] =	vst v3  }
0xef: {  	v3 =	vld [tilespmem:s3+$0x10];
	v6 =	vand.u32 $0x1F, v8;
	[tilespmem:s0+$0xFFFFFFC0] =	vst v5;
	s0 =	sadd.s32 $0x80, s0  }
0xf0: {  	v7 =	vand.u32 $0x1F, v7;
	v5 =	vld [tilespmem:s3+$0x20];
	[tilespmem:s0+$0x30] =	vst v6  }
0xf1: {  	v6 =	vld [tilespmem:s3+$0xFFFFFFC0];
	[tilespmem:s0+$0xFFFFFFD0] =	vst v7;
	v7 =	vand.u32 $0x1F, v9;
	s3 =	sadd.s32 $0x80, s3  }
0xf2: {  	[tilespmem:s0+$0xFFFFFFE0] =	vst v7;
	v4 =	vand.u32 $0x1F, v4  }
0xf3: {  	[tilespmem:s0+$0xFFFFFFF0] =	vst v4;
	v2 =	vand.u32 $0x1F, v2  }
0xf4: {  	[tilespmem:s0+$0x0] =	vst v2;
	v2 =	vand.u32 $0x1F, v3  }
0xf5: {  	[tilespmem:s0+$0x10] =	vst v2;
	v2 =	vand.u32 $0x1F, v5  }
0xf6: {  	v3 =	vand.u32 $0x1F, v6;
	[tilespmem:s0+$0x20] =	vst v2  }
0xf7: {  	[tilespmem:s0+$0xFFFFFFC0] =	vst v3  }
0xf8: {  	_ =	swait.ge [sflag:s23], $0x8000  }
0xf9: {  	s29 =	simm.s32 $0x0;
	[sflag:s23] =	ssyncset.done $0x0  }
0xfa: {  	s30 =	simm.s32 $0x0;
	s31 =	simm.s32 $0x0;
	[sflag:s23] =	ssyncadd.s32 $0xFFFF8000  }
.LBB2_16:
0xfb: {  	s0 =	simm.s32 $0x10440  }
0xfc: {  	v3 =	vld [tilespmem:s0+$0x30]  }
0xfd: {  	v4 =	vld [tilespmem:s0+$0xFFFFFFD0]  }
0xfe: {  	v5 =	vld [tilespmem:s0+$0xFFFFFFE0]  }
0xff: {  	s2 =	sshll.u32 s31, $0x5;
	s18 =	sshll.u32 s30, $0x2;
	s3 =	sand.u32 $0x7, s29;
	v6 =	vld [tilespmem:s0+$0xFFFFFFF0]  }
0x100: {  	v2 =	vmov s2;
	v7 =	vld [tilespmem:s0+$0x0];
	s2 =	sand.u32 $0xFFFF8000, s18;
	s3 =	sshll.u32 s3, $0x9  }
0x101: {  	v9 =	vld [tilespmem:s0+$0xFFFFFFC0];
	s2 =	sor.u32 s3, s2;
	v3 =	vadd.s32 v2, v3  }
0x102: {  	v8 =	vld [tilespmem:s0+$0x10];
	s18 =	sshrl.u32 s2, $0x2;
	v4 =	vadd.s32 v2, v4  }
0x103: {  	v10 =	vld [tilespmem:s0+$0x20];
	s0 =	sor.u32 $0x40, s18;
	v5 =	vadd.s32 v2, v5  }
0x104: {  	v11 =	vld [tilespmem:s0+$0x30];
	v6 =	vadd.s32 v2, v6  }
0x105: {  	v13 =	vld [tilespmem:s0+$0xFFFFFFC0];
	v7 =	vadd.s32 v2, v7  }
0x106: {  	v9 =	vadd.s32 v2, v9;
	v3 =	vld.idx.msk [tilespmem:v3+s16+$0x0], $0xffff  }
0x107: {  	v8 =	vadd.s32 v2, v8;
	v4 =	vld.idx.msk [tilespmem:v4+s16+$0x0], $0xffff  }
0x108: {  	v10 =	vadd.s32 v2, v10;
	v5 =	vld.idx.msk [tilespmem:v5+s16+$0x0], $0xffff  }
0x109: {  	v12 =	vld.idx.msk [tilespmem:v6+s16+$0x0], $0xffff  }
0x10a: {  	v14 =	vld.idx.msk [tilespmem:v7+s16+$0x0], $0xffff  }
0x10b: {  	v16 =	vld.idx.msk [tilespmem:v9+s16+$0x0], $0xffff  }
0x10c: {  	v15 =	vld.idx.msk [tilespmem:v8+s16+$0x0], $0xffff  }
0x10d: {  	v6 =	vld.idx.msk [tilespmem:v10+s16+$0x0], $0xffff;
	v8 =	vmul.f32 v11, v0;
	v3 =	vmul.f32 v3, v1  }
0x10e: {  	v9 =	vld [tilespmem:s0+$0xFFFFFFD0]  }
0x10f: {  	v10 =	vld [tilespmem:s0+$0xFFFFFFE0];
	v7 =	vmul.f32 v4, v1;
	v4 =	vmul.f32 v14, v1;
	v3 =	vadd.f32 v8, v3  }
0x110: {  	v11 =	vld [tilespmem:s0+$0xFFFFFFF0];
	v14 =	vmul.f32 v16, v1;
	v8 =	vmul.f32 v5, v1  }
0x111: {  	s3 =	simm.s32 $0x104C0;
	s18 =	simm.s32 $0x0;
	s2 =	smov.u32 s0;
	v5 =	vmul.f32 v12, v1;
	v12 =	vld [tilespmem:s0+$0x0];
	[tilespmem:s0+$0x30] =	vst v3;
	v3 =	vmul.f32 v15, v1  }
.LBB2_17:
0x112: {  	v15 =	vld [tilespmem:s3+$0x30];
	s18 =	sadd.s32 $0x8, s18;
	v13 =	vmul.f32 v13, v0;
	v6 =	vmul.f32 v6, v1  }
0x113: {  	v16 =	vld [tilespmem:s3+$0xFFFFFFD0];
	p0 =	slt.u32 s18, $0x38;
	v9 =	vmul.f32 v9, v0  }
0x114: {  	v17 =	vld [tilespmem:s3+$0xFFFFFFE0];
	v13 =	vadd.f32 v13, v14;
	v10 =	vmul.f32 v10, v0  }
0x115: {  	v14 =	vld [tilespmem:s3+$0xFFFFFFF0];
	v7 =	vadd.f32 v9, v7;
	v9 =	vmul.f32 v11, v0  }
0x116: {  	v11 =	vld [tilespmem:s3+$0x0];
	[tilespmem:s0+$0xFFFFFFC0] =	vst v13;
	v8 =	vadd.f32 v10, v8;
	v10 =	vmul.f32 v12, v0  }
0x117: {  	v12 =	vld [tilespmem:s3+$0x10];
	v13 =	vadd.s32 v2, v15;
	[tilespmem:s0+$0xFFFFFFD0] =	vst v7;
	v5 =	vadd.f32 v9, v5  }
0x118: {  	v7 =	vadd.s32 v2, v16;
	v9 =	vld [tilespmem:s3+$0x20];
	[tilespmem:s0+$0xFFFFFFE0] =	vst v8;
	v4 =	vadd.f32 v10, v4  }
0x119: {  	v8 =	vld [tilespmem:s3+$0xFFFFFFC0];
	v10 =	vadd.s32 v2, v17;
	[tilespmem:s0+$0xFFFFFFF0] =	vst v5  }
0x11a: {  	v5 =	vadd.s32 v2, v14;
	[tilespmem:s0+$0x0] =	vst v4;
	v4 =	vld [tilespmem:s0+$0x10]  }
0x11b: {  	v11 =	vadd.s32 v2, v11;
	v14 =	vld [tilespmem:s0+$0x20]  }
0x11c: {  	s0 =	sadd.s32 $0x400, s0;
	v12 =	vadd.s32 v2, v12;
	v13 =	vld.idx.msk [tilespmem:v13+s16+$0x0], $0xffff  }
0x11d: {  	v9 =	vadd.s32 v2, v9;
	v15 =	vld [tilespmem:s0+$0x30]  }
0x11e: {  	v8 =	vadd.s32 v2, v8;
	v7 =	vld.idx.msk [tilespmem:v7+s16+$0x0], $0xffff  }
0x11f: {  	v10 =	vld.idx.msk [tilespmem:v10+s16+$0x0], $0xffff;
	v4 =	vmul.f32 v4, v0  }
0x120: {  	v5 =	vld.idx.msk [tilespmem:v5+s16+$0x0], $0xffff;
	v14 =	vmul.f32 v14, v0  }
0x121: {  	v11 =	vld.idx.msk [tilespmem:v11+s16+$0x0], $0xffff;
	v3 =	vadd.f32 v4, v3  }
0x122: {  	v13 =	vmul.f32 v13, v1;
	v12 =	vld.idx.msk [tilespmem:v12+s16+$0x0], $0xffff;
	v4 =	vmul.f32 v15, v0;
	v14 =	vadd.f32 v14, v6  }
0x123: {  	v15 =	vld.idx.msk [tilespmem:v8+s16+$0x0], $0xffff;
	[tilespmem:s2+$0x10] =	vst v3  }
0x124: {  	v7 =	vmul.f32 v7, v1;
	v6 =	vld.idx.msk [tilespmem:v9+s16+$0x0], $0xffff;
	v3 =	vadd.f32 v4, v13;
	[tilespmem:s2+$0x20] =	vst v14;
	s2 =	smov.u32 s0  }
.Ltmp7:
0x125: {  	v8 =	vmul.f32 v10, v1;
	v13 =	vld [tilespmem:s0+$0xFFFFFFC0];
	(pc) =	sbr.rel @p0 .LBB2_17-.Ltmp7, $4  }
0x126: {  	v5 =	vmul.f32 v5, v1;
	v9 =	vld [tilespmem:s0+$0xFFFFFFD0];
	[tilespmem:s0+$0x30] =	vst v3  }
0x127: {  	v4 =	vmul.f32 v11, v1;
	v10 =	vld [tilespmem:s0+$0xFFFFFFE0]  }
0x128: {  	v3 =	vmul.f32 v12, v1;
	v11 =	vld [tilespmem:s0+$0xFFFFFFF0]  }
0x129: {  	s3 =	sadd.s32 $0x80, s3;
	v14 =	vmul.f32 v15, v1;
	v12 =	vld [tilespmem:s0+$0x0]  }
0x12a: {  	v2 =	vmul.f32 v13, v0;
	v59 =	vld [tilespmem:s0+$0x10]  }
0x12b: {  	v15 =	vld [tilespmem:s0+$0x20];
	v9 =	vmul.f32 v9, v0  }
0x12c: {  	v2 =	vadd.f32 v2, v14;
	v10 =	vmul.f32 v10, v0  }
0x12d: {  	v7 =	vadd.f32 v9, v7;
	v60 =	vmul.f32 v11, v0  }
0x12e: {  	s31 =	sadd.s32 $0x1, s31;
	[tilespmem:s0+$0xFFFFFFC0] =	vst v2;
	v2 =	vadd.f32 v10, v8;
	v61 =	vmul.f32 v12, v0  }
0x12f: {  	p0 =	sne.s32 s31, $0x20;
	[tilespmem:s0+$0xFFFFFFD0] =	vst v7;
	v5 =	vadd.f32 v60, v5;
	v62 =	vmul.f32 v59, v0  }
.Ltmp8:
0x130: {  	v6 =	vmul.f32 v6, v1;
	v63 =	vmul.f32 v15, v0;
	[tilespmem:s0+$0xFFFFFFE0] =	vst v2;
	v2 =	vadd.f32 v61, v4;
	(pc) =	sbr.rel @p0 .LBB2_16-.Ltmp8, $4  }
0x131: {  	[tilespmem:s0+$0xFFFFFFF0] =	vst v5;
	v3 =	vadd.f32 v62, v3  }
0x132: {  	[tilespmem:s0+$0x0] =	vst v2;
	v2 =	vadd.f32 v63, v6  }
0x133: {  	[tilespmem:s2+$0x10] =	vst v3  }
0x134: {  	s30 =	sadd.s32 $0x400, s30;
	s29 =	sadd.s32 $0x1, s29;
	[tilespmem:s2+$0x20] =	vst v2  }
0x135: {  	[hbm4b:s13+s1] =	stream.linear.scatter [tilespmem:s1], [sflag:$0x3], $0x8000, $0x38;
	[tilespmem:$0x11080] =	vst v63  }
0x136: {  	_ = 	snop  }
0x137: {  	[tilespmem:s22], [sflag:$0x5] =	stream.strided.gather [hbm4b:s12+s20], $0x400, s21, s20, $0x38;
	[tilespmem:$0x11080] =	vst v63  }
0x138: {  	_ =	swait.ge [sflag:s17], $0x400  }
0x139: {  	[sflag:s17] =	ssyncset.done $0x0  }
0x13a: {  	s3 =	simm.s32 $0x10040;
	[sflag:s17] =	ssyncadd.s32 $0xFFFFFC00  }
0x13b: {  	v4 =	vld [tilespmem:s3+$0x30]  }
0x13c: {  	v6 =	vld [tilespmem:s3+$0xFFFFFFD0]  }
0x13d: {  	v8 =	vld [tilespmem:s3+$0xFFFFFFE0]  }
0x13e: {  	v5 =	vld [tilespmem:s3+$0xFFFFFFF0]  }
0x13f: {  	v3 =	vld [tilespmem:s3+$0x0]  }
0x140: {  	v2 =	vld [tilespmem:s3+$0x10];
	v7 =	vshrl.u32 v4, $0x5  }
0x141: {  	s0 =	simm.s32 $0x10440;
	v9 =	vshrl.u32 v6, $0x5;
	v4 =	vld [tilespmem:s3+$0x20];
	v10 =	vand.u32 $0x1F, v7  }
0x142: {  	s2 =	simm.s32 $0x0;
	v6 =	vld [tilespmem:s3+$0xFFFFFFC0];
	v8 =	vshrl.u32 v8, $0x5;
	s3 =	simm.s32 $0x100C0;
	v7 =	vand.u32 $0x1F, v9;
	[tilespmem:s0+$0x30] =	vst v10  }
.LBB2_20:
0x143: {  	v9 =	vld [tilespmem:s3+$0x30];
	s2 =	sadd.s32 $0x8, s2;
	[tilespmem:s0+$0xFFFFFFD0] =	vst v7;
	v7 =	vand.u32 $0x1F, v8;
	v5 =	vshrl.u32 v5, $0x5  }
0x144: {  	v8 =	vld [tilespmem:s3+$0xFFFFFFD0];
	p0 =	slt.u32 s2, $0x38;
	[tilespmem:s0+$0xFFFFFFE0] =	vst v7;
	v5 =	vand.u32 $0x1F, v5;
	v3 =	vshrl.u32 v3, $0x5  }
0x145: {  	v10 =	vld [tilespmem:s3+$0xFFFFFFE0];
	[tilespmem:s0+$0xFFFFFFF0] =	vst v5;
	v3 =	vand.u32 $0x1F, v3;
	v2 =	vshrl.u32 v2, $0x5  }
.Ltmp9:
0x146: {  	v5 =	vld [tilespmem:s3+$0xFFFFFFF0];
	[tilespmem:s0+$0x0] =	vst v3;
	v2 =	vand.u32 $0x1F, v2;
	v4 =	vshrl.u32 v4, $0x5;
	(pc) =	sbr.rel @p0 .LBB2_20-.Ltmp9, $4  }
0x147: {  	v3 =	vld [tilespmem:s3+$0x0];
	v6 =	vshrl.u32 v6, $0x5;
	[tilespmem:s0+$0x10] =	vst v2;
	v4 =	vand.u32 $0x1F, v4  }
0x148: {  	v2 =	vld [tilespmem:s3+$0x10];
	v7 =	vshrl.u32 v9, $0x5;
	v6 =	vand.u32 $0x1F, v6;
	[tilespmem:s0+$0x20] =	vst v4  }
0x149: {  	v8 =	vshrl.u32 v8, $0x5;
	v4 =	vld [tilespmem:s3+$0x20];
	v9 =	vand.u32 $0x1F, v7;
	[tilespmem:s0+$0xFFFFFFC0] =	vst v6;
	s0 =	sadd.s32 $0x80, s0  }
0x14a: {  	v6 =	vld [tilespmem:s3+$0xFFFFFFC0];
	v7 =	vand.u32 $0x1F, v8;
	v8 =	vshrl.u32 v10, $0x5;
	[tilespmem:s0+$0x30] =	vst v9;
	s3 =	sadd.s32 $0x80, s3  }
0x14b: {  	[tilespmem:s0+$0xFFFFFFD0] =	vst v7;
	v62 =	vand.u32 $0x1F, v8;
	v5 =	vshrl.u32 v5, $0x5  }
0x14c: {  	[tilespmem:s0+$0xFFFFFFE0] =	vst v62;
	v5 =	vand.u32 $0x1F, v5;
	v3 =	vshrl.u32 v3, $0x5  }
0x14d: {  	[tilespmem:s0+$0xFFFFFFF0] =	vst v5;
	v3 =	vand.u32 $0x1F, v3;
	v2 =	vshrl.u32 v2, $0x5  }
0x14e: {  	[tilespmem:s0+$0x0] =	vst v3;
	v2 =	vand.u32 $0x1F, v2;
	v3 =	vshrl.u32 v4, $0x5  }
0x14f: {  	v63 =	vshrl.u32 v6, $0x5;
	[tilespmem:s0+$0x10] =	vst v2;
	v2 =	vand.u32 $0x1F, v3  }
0x150: {  	v3 =	vand.u32 $0x1F, v63;
	[tilespmem:s0+$0x20] =	vst v2  }
0x151: {  	[tilespmem:s0+$0xFFFFFFC0] =	vst v3  }
0x152: {  	_ =	swait.ge [sflag:s25], $0x8000  }
0x153: {  	s29 =	simm.s32 $0x0;
	[sflag:s25] =	ssyncset.done $0x0  }
0x154: {  	s30 =	simm.s32 $0x0;
	s31 =	simm.s32 $0x0;
	[sflag:s25] =	ssyncadd.s32 $0xFFFF8000  }
.LBB2_22:
0x155: {  	s0 =	simm.s32 $0x10440  }
0x156: {  	v3 =	vld [tilespmem:s0+$0x30]  }
0x157: {  	v4 =	vld [tilespmem:s0+$0xFFFFFFD0]  }
0x158: {  	s2 =	sshll.u32 s31, $0x5;
	v5 =	vld [tilespmem:s0+$0xFFFFFFE0]  }
0x159: {  	s18 =	sshll.u32 s30, $0x2;
	s3 =	sand.u32 $0x7, s29;
	s2 =	sadd.s32 $0x400, s2;
	v6 =	vld [tilespmem:s0+$0xFFFFFFF0]  }
0x15a: {  	v7 =	vld [tilespmem:s0+$0x0];
	s3 =	sshll.u32 s3, $0x9;
	v2 =	vmov s2;
	s2 =	sand.u32 $0xFFFF8000, s18  }
0x15b: {  	v9 =	vld [tilespmem:s0+$0xFFFFFFC0];
	s2 =	sor.u32 s3, s2;
	v3 =	vadd.s32 v2, v3  }
0x15c: {  	v8 =	vld [tilespmem:s0+$0x10];
	s18 =	sshrl.u32 s2, $0x2;
	v4 =	vadd.s32 v2, v4  }
0x15d: {  	v10 =	vld [tilespmem:s0+$0x20];
	s0 =	sadd.s32 $0x8000, s18;
	v5 =	vadd.s32 v2, v5  }
0x15e: {  	v6 =	vadd.s32 v2, v6;
	v11 =	vld [tilespmem:s0+$0x70]  }
0x15f: {  	v7 =	vadd.s32 v2, v7;
	v13 =	vld [tilespmem:s0+$0x0]  }
0x160: {  	v9 =	vadd.s32 v2, v9;
	v3 =	vld.idx.msk [tilespmem:v3+s16+$0x0], $0xffff  }
0x161: {  	v8 =	vadd.s32 v2, v8;
	v4 =	vld.idx.msk [tilespmem:v4+s16+$0x0], $0xffff  }
0x162: {  	v10 =	vadd.s32 v2, v10;
	v5 =	vld.idx.msk [tilespmem:v5+s16+$0x0], $0xffff  }
0x163: {  	v12 =	vld.idx.msk [tilespmem:v6+s16+$0x0], $0xffff  }
0x164: {  	v14 =	vld.idx.msk [tilespmem:v7+s16+$0x0], $0xffff  }
0x165: {  	v16 =	vld.idx.msk [tilespmem:v9+s16+$0x0], $0xffff  }
0x166: {  	v15 =	vld.idx.msk [tilespmem:v8+s16+$0x0], $0xffff  }
0x167: {  	v6 =	vld.idx.msk [tilespmem:v10+s16+$0x0], $0xffff;
	v8 =	vmul.f32 v11, v0;
	v3 =	vmul.f32 v3, v1  }
0x168: {  	v9 =	vld [tilespmem:s0+$0x10]  }
0x169: {  	v10 =	vld [tilespmem:s0+$0x20];
	v7 =	vmul.f32 v4, v1;
	v4 =	vmul.f32 v14, v1;
	v3 =	vadd.f32 v8, v3  }
0x16a: {  	v11 =	vld [tilespmem:s0+$0x30];
	v14 =	vmul.f32 v16, v1;
	v8 =	vmul.f32 v5, v1  }
0x16b: {  	s3 =	simm.s32 $0x104C0;
	s18 =	simm.s32 $0x0;
	s2 =	smov.u32 s0;
	v5 =	vmul.f32 v12, v1;
	v12 =	vld [tilespmem:s0+$0x40];
	[tilespmem:s0+$0x70] =	vst v3;
	v3 =	vmul.f32 v15, v1  }
.LBB2_23:
0x16c: {  	v15 =	vld [tilespmem:s3+$0x30];
	s18 =	sadd.s32 $0x8, s18;
	v13 =	vmul.f32 v13, v0;
	v6 =	vmul.f32 v6, v1  }
0x16d: {  	v16 =	vld [tilespmem:s3+$0xFFFFFFD0];
	p0 =	slt.u32 s18, $0x38;
	v9 =	vmul.f32 v9, v0  }
0x16e: {  	v17 =	vld [tilespmem:s3+$0xFFFFFFE0];
	v13 =	vadd.f32 v13, v14;
	v10 =	vmul.f32 v10, v0  }
0x16f: {  	v14 =	vld [tilespmem:s3+$0xFFFFFFF0];
	v7 =	vadd.f32 v9, v7;
	v9 =	vmul.f32 v11, v0  }
0x170: {  	v11 =	vld [tilespmem:s3+$0x0];
	[tilespmem:s0+$0x0] =	vst v13;
	v8 =	vadd.f32 v10, v8;
	v10 =	vmul.f32 v12, v0  }
0x171: {  	v12 =	vld [tilespmem:s3+$0x10];
	v13 =	vadd.s32 v2, v15;
	[tilespmem:s0+$0x10] =	vst v7;
	v5 =	vadd.f32 v9, v5  }
0x172: {  	v7 =	vadd.s32 v2, v16;
	v9 =	vld [tilespmem:s3+$0x20];
	[tilespmem:s0+$0x20] =	vst v8;
	v4 =	vadd.f32 v10, v4  }
0x173: {  	v8 =	vld [tilespmem:s3+$0xFFFFFFC0];
	v10 =	vadd.s32 v2, v17;
	[tilespmem:s0+$0x30] =	vst v5  }
0x174: {  	v5 =	vadd.s32 v2, v14;
	[tilespmem:s0+$0x40] =	vst v4;
	v4 =	vld [tilespmem:s0+$0x50]  }
0x175: {  	v11 =	vadd.s32 v2, v11;
	v14 =	vld [tilespmem:s0+$0x60]  }
0x176: {  	s0 =	sadd.s32 $0x400, s0;
	v12 =	vadd.s32 v2, v12;
	v13 =	vld.idx.msk [tilespmem:v13+s16+$0x0], $0xffff  }
0x177: {  	v9 =	vadd.s32 v2, v9;
	v15 =	vld [tilespmem:s0+$0x70]  }
0x178: {  	v8 =	vadd.s32 v2, v8;
	v7 =	vld.idx.msk [tilespmem:v7+s16+$0x0], $0xffff  }
0x179: {  	v10 =	vld.idx.msk [tilespmem:v10+s16+$0x0], $0xffff;
	v4 =	vmul.f32 v4, v0  }
0x17a: {  	v5 =	vld.idx.msk [tilespmem:v5+s16+$0x0], $0xffff;
	v14 =	vmul.f32 v14, v0  }
0x17b: {  	v11 =	vld.idx.msk [tilespmem:v11+s16+$0x0], $0xffff;
	v3 =	vadd.f32 v4, v3  }
0x17c: {  	v13 =	vmul.f32 v13, v1;
	v12 =	vld.idx.msk [tilespmem:v12+s16+$0x0], $0xffff;
	v4 =	vmul.f32 v15, v0;
	v14 =	vadd.f32 v14, v6  }
0x17d: {  	v15 =	vld.idx.msk [tilespmem:v8+s16+$0x0], $0xffff;
	[tilespmem:s2+$0x50] =	vst v3  }
0x17e: {  	v7 =	vmul.f32 v7, v1;
	v6 =	vld.idx.msk [tilespmem:v9+s16+$0x0], $0xffff;
	v3 =	vadd.f32 v4, v13;
	[tilespmem:s2+$0x60] =	vst v14;
	s2 =	smov.u32 s0  }
.Ltmp10:
0x17f: {  	v8 =	vmul.f32 v10, v1;
	v13 =	vld [tilespmem:s0+$0x0];
	(pc) =	sbr.rel @p0 .LBB2_23-.Ltmp10, $4  }
0x180: {  	v5 =	vmul.f32 v5, v1;
	v9 =	vld [tilespmem:s0+$0x10];
	[tilespmem:s0+$0x70] =	vst v3  }
0x181: {  	v4 =	vmul.f32 v11, v1;
	v10 =	vld [tilespmem:s0+$0x20]  }
0x182: {  	v3 =	vmul.f32 v12, v1;
	v11 =	vld [tilespmem:s0+$0x30]  }
0x183: {  	s3 =	sadd.s32 $0x80, s3;
	v14 =	vmul.f32 v15, v1;
	v12 =	vld [tilespmem:s0+$0x40]  }
0x184: {  	v2 =	vmul.f32 v13, v0;
	v59 =	vld [tilespmem:s0+$0x50]  }
0x185: {  	v15 =	vld [tilespmem:s0+$0x60];
	v9 =	vmul.f32 v9, v0  }
0x186: {  	v2 =	vadd.f32 v2, v14;
	v10 =	vmul.f32 v10, v0  }
0x187: {  	v7 =	vadd.f32 v9, v7;
	v60 =	vmul.f32 v11, v0  }
0x188: {  	s31 =	sadd.s32 $0x1, s31;
	[tilespmem:s0+$0x0] =	vst v2;
	v2 =	vadd.f32 v10, v8;
	v61 =	vmul.f32 v12, v0  }
0x189: {  	p0 =	sne.s32 s31, $0x20;
	[tilespmem:s0+$0x10] =	vst v7;
	v5 =	vadd.f32 v60, v5;
	v62 =	vmul.f32 v59, v0  }
.Ltmp11:
0x18a: {  	v6 =	vmul.f32 v6, v1;
	v63 =	vmul.f32 v15, v0;
	[tilespmem:s0+$0x20] =	vst v2;
	v2 =	vadd.f32 v61, v4;
	(pc) =	sbr.rel @p0 .LBB2_22-.Ltmp11, $4  }
0x18b: {  	[tilespmem:s0+$0x30] =	vst v5;
	v3 =	vadd.f32 v62, v3  }
0x18c: {  	[tilespmem:s0+$0x40] =	vst v2;
	v2 =	vadd.f32 v63, v6  }
0x18d: {  	[tilespmem:s2+$0x50] =	vst v3  }
0x18e: {  	s30 =	sadd.s32 $0x400, s30;
	s29 =	sadd.s32 $0x1, s29;
	[tilespmem:s2+$0x60] =	vst v2  }
0x18f: {  	[hbm4b:s14+s1] =	stream.linear.scatter [tilespmem:s19], [sflag:$0x4], $0x8000, $0x38;
	[tilespmem:$0x11080] =	vst v63  }
0x190: {  	s28 =	sadd.s32 $0x1, s28  }
0x191: {  	_ =	swait.ge [sflag:s24], $0x8000;
	p0 =	sne.s32 s28, s15  }
.Ltmp12:
0x192: {  	[sflag:s24] =	ssyncset.done $0x0;
	(pc) =	sbr.rel @p0 .LBB2_1-.Ltmp12, $4  }
0x193: {  	[sflag:s24] =	ssyncadd.s32 $0xFFFF8000  }
0x194: {  	_ =	swait.ge [sflag:s26], $0x8000  }
0x195: {  	[sflag:s26] =	ssyncset.done $0x0  }
0x196: {  	[sflag:s26] =	ssyncadd.s32 $0xFFFF8000  }
0x197: {  	_ =	sfence.sel $0x180000  }
0x198: {  	[bflag:$0x0] =	sbarrier.arrive $0xFFFF  }
0x199: {  	_ =	strace $0x90000047  }
0x19a: {  	s0 =	stileid.u32;
	[bflag:$0x2] =	sbarrier.arrive $0xFFFF  }
0x19b: {  	p0 =	sne.s32 s0, $0x0;
	s0 =	rddreg [dreg:$0x4]  }
0x19c: {  	s0 =	sadd.s32 @!p0 $0x100000, s0  }
0x19d: {  	[sflag:s0] =	ssyncadd.tile.s32 @!p0 $0x1;
	_ =	shalt  }
.Lfunc_end2:
_tile_overlayer_lowered:
.L_overlay_start_2:
0x19e: {  	(tag) =	ssettag $0x2  }
0x19f: {  	s0 =	rddreg [dreg:$0x0];
	s2 =	stileid.u32  }
0x1a0: {  	s1 =	rddreg [dreg:$0x1];
	p0 =	sne.s32 s2, $0x0  }
0x1a1: {  	s3 =	rddreg [dreg:$0x2];
	[bflag:$0x3] =	sbarrier.arrive $0xFFFF;
	s2 =	simm.s32 @!p0 $0x1C05  }
0x1a2: {  	[timem:s3], [sflag:s2] =	dma.local @!p0 [hbm:s0], s1  }
0x1a3: {  	s0 =	simm.s32 @!p0 $0x5  }
0x1a4: {  	_ =	swait.ge @!p0 [sflag:s0], s1  }
0x1a5: {  	s1 =	ssub.s32 @!p0 $0x0, s1;
	[sflag:s0] =	ssyncset.done @!p0 $0x0  }
0x1a6: {  	[sflag:s0] =	ssyncadd.s32 @!p0 s1  }
0x1a7: {  	[bflag:$0x3] =	sbarrier.arrive $0xFFFF  }
0x1a8: {  	_ =	shalt  }

</sc_bundles>
